<compile_context>
chip_gen: v7x
topology: tpu7x:2x2x1
jax: 0.10.2.dev20260603
libtpu: 0.0.44.dev20260713+nightly
codegen_flags: <defaults>
</compile_context>

<pallas_src>
import functools
import jax
import jax.numpy as jnp
from jax import lax
from jax.experimental import pallas as pl
from jax.experimental.pallas import tpu as pltpu
from jax.experimental.pallas import tpu_sc as plsc

_B = 16
_T = 32
_NT = _B * _T
_NC2 = 2
_NS = 16
_NW = _NC2 * _NS
_TPW = _NT // _NW
_NCH = 85
_SCALES = ((64, 8.0), (32, 16.0), (16, 32.0))
_ANCHORS = (((10.0, 13.0), (16.0, 30.0), (33.0, 23.0)),
            ((30.0, 61.0), (62.0, 45.0), (59.0, 119.0)),
            ((116.0, 90.0), (156.0, 198.0), (373.0, 326.0)))
_EPS = 1e-7


def _log1p01(z):
    s = z / (z + 2.0)
    s2 = s * s
    return 2.0 * s * (1.0 + s2 * (1.0/3.0 + s2 * (1.0/5.0
                      + s2 * (1.0/7.0 + s2 * (1.0/9.0)))))


def _sigmoid(x):
    return 1.0 / (1.0 + jnp.exp(-x))


def _scales_acc(p0, p1, p2, bxv, byv, bwv, bhv, labv, idxv, valv, sem, base):
    bx = bxv[...]
    by = byv[...]
    bw = bwv[...]
    bh = bhv[...]
    lab = labv[...]
    g = base + lax.iota(jnp.int32, _TPW)
    bidx = lax.shift_right_logical(g, 5)

    preds = (p0, p1, p2)
    tgts = []
    for si, (n, st) in enumerate(_SCALES):
        n2 = n * n
        nf = float(n)
        tgx = bx * nf
        tgy = by * nf
        tgw = bw * nf
        tgh = bh * nf
        gi = jnp.minimum(jnp.maximum(tgx.astype(jnp.int32), 0), n - 1)
        gj = jnp.minimum(jnp.maximum(tgy.astype(jnp.int32), 0), n - 1)
        gif = gi.astype(jnp.float32)
        gjf = gj.astype(jnp.float32)

        a = jnp.zeros((_TPW,), jnp.int32)
        rbest = None
        awv = None
        ahv = None
        for k in range(3):
            aw = _ANCHORS[si][k][0] / st
            ah = _ANCHORS[si][k][1] / st
            rw = jnp.maximum(tgw / aw, aw / tgw)
            rh = jnp.maximum(tgh / ah, ah / tgh)
            r = jnp.maximum(rw, rh)
            if k == 0:
                rbest = r
                awv = jnp.full((_TPW,), aw, jnp.float32)
                ahv = jnp.full((_TPW,), ah, jnp.float32)
            else:
                bet = r < rbest
                rbest = jnp.where(bet, r, rbest)
                a = jnp.where(bet, k, a)
                awv = jnp.where(bet, aw, awv)
                ahv = jnp.where(bet, ah, ahv)

        flat0 = ((bidx * 255 + a * _NCH) * n + gj) * n + gi
        blk = si * _NCH * _TPW

        def build(ci, carry):
            idxv[pl.ds(blk + ci * _TPW, _TPW)] = flat0 + ci * n2
            return carry
        lax.fori_loop(0, _NCH, build, 0)
        tgts.append((tgx, tgy, tgw, tgh, gif, gjf, awv, ahv))

    for si in range(3):
        blk = si * _NCH * _TPW
        pltpu.async_copy(
            preds[si].at[idxv.at[pl.ds(blk, _NCH * _TPW)]],
            valv.at[pl.ds(blk, _NCH * _TPW)], sem).wait()

    acc = jnp.zeros((_TPW,), jnp.float32)
    for si, (n, st) in enumerate(_SCALES):
        tgx, tgy, tgw, tgh, gif, gjf, awv, ahv = tgts[si]
        blk = si * _NCH * _TPW
        v0 = valv[pl.ds(blk + 0 * _TPW, _TPW)]
        v1 = valv[pl.ds(blk + 1 * _TPW, _TPW)]
        v2 = valv[pl.ds(blk + 2 * _TPW, _TPW)]
        v3 = valv[pl.ds(blk + 3 * _TPW, _TPW)]
        v4 = valv[pl.ds(blk + 4 * _TPW, _TPW)]
        sx = _sigmoid(v0)
        sy = _sigmoid(v1)
        ew = jnp.exp(v2) * awv
        eh = jnp.exp(v3) * ahv
        px = sx + gif
        py = sy + gjf
        tx = tgx - gif
        ty = tgy - gjf
        b1x1 = px - ew * 0.5
        b1x2 = px + ew * 0.5
        b1y1 = py - eh * 0.5
        b1y2 = py + eh * 0.5
        b2x1 = tx - tgw * 0.5
        b2x2 = tx + tgw * 0.5
        b2y1 = ty - tgh * 0.5
        b2y2 = ty + tgh * 0.5
        inter = (jnp.maximum(jnp.minimum(b1x2, b2x2) - jnp.maximum(b1x1, b2x1), 0.0)
                 * jnp.maximum(jnp.minimum(b1y2, b2y2) - jnp.maximum(b1y1, b2y1), 0.0))
        union = ew * (eh + _EPS) + tgw * (tgh + _EPS) - inter + _EPS
        iou = inter / union
        cw = jnp.maximum(b1x2, b2x2) - jnp.minimum(b1x1, b2x1)
        chh = jnp.maximum(b1y2, b2y2) - jnp.minimum(b1y1, b2y1)
        c2 = cw * cw + chh * chh + _EPS
        dx = b2x1 + b2x2 - b1x1 - b1x2
        dy = b2y1 + b2y2 - b1y1 - b1y2
        rho2 = (dx * dx + dy * dy) * 0.25
        diou = iou - rho2 / c2
        acc = acc + 5.0 * (1.0 - diou)

        so = _sigmoid(v4)
        acc = acc + _log1p01(jnp.exp(-so))

        def cls_body(ci, acc_c):
            sc = _sigmoid(valv[pl.ds(blk + (5 + ci) * _TPW, _TPW)])
            y = jnp.where(lab == ci, 1.0, 0.0)
            return acc_c + sc * (1.0 - y) + _log1p01(jnp.exp(-sc))
        acc_cls = lax.fori_loop(0, 80, cls_body, jnp.zeros((_TPW,), jnp.float32))
        acc = acc + acc_cls * (1.0 / 80.0)
    return acc


def _sc_body(p0, p1, p2, bx_h, by_h, bw_h, bh_h, lab_h, out_h,
             bxv, byv, bwv, bhv, labv, idxv, valv, accv, sem):
    cid = lax.axis_index("c")
    sid = lax.axis_index("s")
    wid = cid * _NS + sid
    base = wid * _TPW

    pltpu.sync_copy(bx_h.at[pl.ds(base, _TPW)], bxv)
    pltpu.sync_copy(by_h.at[pl.ds(base, _TPW)], byv)
    pltpu.sync_copy(bw_h.at[pl.ds(base, _TPW)], bwv)
    pltpu.sync_copy(bh_h.at[pl.ds(base, _TPW)], bhv)
    pltpu.sync_copy(lab_h.at[pl.ds(base, _TPW)], labv)

    acc = _scales_acc(p0, p1, p2, bxv, byv, bwv, bhv, labv, idxv, valv,
                      sem, base)
    accv[...] = acc
    pltpu.sync_copy(accv, out_h.at[wid])


_sc_scratch = [
    pltpu.VMEM((_TPW,), jnp.float32),
    pltpu.VMEM((_TPW,), jnp.float32),
    pltpu.VMEM((_TPW,), jnp.float32),
    pltpu.VMEM((_TPW,), jnp.float32),
    pltpu.VMEM((_TPW,), jnp.int32),
    pltpu.VMEM((3 * _NCH * _TPW,), jnp.int32),
    pltpu.VMEM((3 * _NCH * _TPW,), jnp.float32),
    pltpu.VMEM((_TPW,), jnp.float32),
    pltpu.SemaphoreType.DMA,
]

_yolo_sc = pl.kernel(
    _sc_body,
    out_type=jax.ShapeDtypeStruct((_NW, _TPW), jnp.float32),
    mesh=plsc.VectorSubcoreMesh(core_axis_name="c", subcore_axis_name="s"),
    scratch_types=_sc_scratch,
)


@jax.jit
def kernel(pred0, pred1, pred2, boxes, labels):
    p0 = pred0.reshape(-1)
    p1 = pred1.reshape(-1)
    p2 = pred2.reshape(-1)
    bf = boxes.reshape(_NT, 4)
    lab = labels.reshape(_NT).astype(jnp.int32)
    out = _yolo_sc(p0, p1, p2, bf[:, 0], bf[:, 1], bf[:, 2], bf[:, 3], lab)
    return jnp.sum(out).reshape(1)

# --- scband reference (transcript-rebuilt; emitter-appended) ---
"""Pipeline reference for scband-yololoss-53601191854228 (READ-ONLY COPY).

The authoritative reference and input builder live on the scoring server;
editing this copy changes nothing except your own understanding.
"""

import jax, jax.numpy as jnp
import numpy as np
import math

NUM_CLASSES = 80
ANCHORS = jnp.array([[[10,13],[16,30],[33,23]],[[30,61],[62,45],[59,119]],[[116,90],[156,198],[373,326]]], dtype=jnp.float32)
STRIDES = jnp.array([8.0,16.0,32.0], dtype=jnp.float32)

def bce_with_logits(x, y):
    # BCEWithLogitsLoss with pos_weight=1, elementwise (stable form)
    return jnp.maximum(x, 0.0) - x * y + jnp.log1p(jnp.exp(-jnp.abs(x)))

def bbox_diou_xywh(box1, box2, eps=1e-07):
    b1_x1 = box1[:,0]-box1[:,2]/2; b1_x2 = box1[:,0]+box1[:,2]/2
    b1_y1 = box1[:,1]-box1[:,3]/2; b1_y2 = box1[:,1]+box1[:,3]/2
    b2_x1 = box2[:,0]-box2[:,2]/2; b2_x2 = box2[:,0]+box2[:,2]/2
    b2_y1 = box2[:,1]-box2[:,3]/2; b2_y2 = box2[:,1]+box2[:,3]/2
    inter = jnp.clip(jnp.minimum(b1_x2,b2_x2)-jnp.maximum(b1_x1,b2_x1), 0.0, None) * jnp.clip(jnp.minimum(b1_y2,b2_y2)-jnp.maximum(b1_y1,b2_y1), 0.0, None)
    w1 = b1_x2-b1_x1; h1 = b1_y2-b1_y1+eps
    w2 = b2_x2-b2_x1; h2 = b2_y2-b2_y1+eps
    union = w1*h1 + w2*h2 - inter + eps
    iou = inter/union
    cw = jnp.maximum(b1_x2,b2_x2)-jnp.minimum(b1_x1,b2_x1)
    ch = jnp.maximum(b1_y2,b2_y2)-jnp.minimum(b1_y1,b2_y1)
    c2 = cw**2 + ch**2 + eps
    rho2 = ((b2_x1+b2_x2-b1_x1-b1_x2)**2 + (b2_y1+b2_y2-b1_y1-b1_y2)**2)/4
    return iou - rho2/c2

def _scale_loss(pred, anchors, stride, boxes, labels, nc):
    bs, _, ny, nx = pred.shape
    p = pred.reshape(bs, 3, 5+nc, ny, nx).transpose(0,1,3,4,2)
    pred_xy = jax.nn.sigmoid(p[..., 0:2])
    pred_wh = jnp.exp(p[..., 2:4]) * anchors.reshape(1,3,1,1,2) / stride
    pred_obj = jax.nn.sigmoid(p[..., 4])
    pred_cls = jax.nn.sigmoid(p[..., 5:])
    gy, gx = jnp.meshgrid(jnp.arange(ny), jnp.arange(nx), indexing='ij')
    grid = jnp.stack((gx, gy), 2).reshape(1,1,ny,nx,2).astype(jnp.float32)
    pred_boxes = jnp.concatenate((pred_xy + grid, pred_wh), axis=4)
    # targets: boxes [B,T,4] normalized cx,cy,w,h; torch code scales all 4 coords by nx
    tgx = boxes[...,0]*nx; tgy = boxes[...,1]*nx
    tgw = boxes[...,2]*nx; tgh = boxes[...,3]*nx
    gi = jnp.clip(jnp.floor(tgx).astype(jnp.int32), 0, nx-1)
    gj = jnp.clip(jnp.floor(tgy).astype(jnp.int32), 0, ny-1)
    anchors_wh = anchors / stride
    box_wh = jnp.stack([tgw, tgh], -1)
    ratios = box_wh[:,:,None,:] / anchors_wh[None,None,:,:]
    ratios = jnp.maximum(ratios, 1.0/ratios)
    a = jnp.argmin(jnp.max(ratios, axis=-1), axis=-1)
    bidx = jnp.arange(bs)[:, None]
    pb = pred_boxes[bidx, a, gj, gi]
    po = pred_obj[bidx, a, gj, gi]
    pc = pred_cls[bidx, a, gj, gi]
    tbox = jnp.stack([tgx - gi, tgy - gj, tgw, tgh], -1)
    iou = bbox_diou_xywh(pb.reshape(-1,4), tbox.reshape(-1,4))
    loss_box = jnp.sum(1.0 - iou) * 5.0
    loss_obj = jnp.sum(bce_with_logits(po, jnp.ones_like(po))) * 1.0
    onehot = jax.nn.one_hot(labels, nc, dtype=jnp.float32)
    loss_cls = jnp.sum(jnp.mean(bce_with_logits(pc, onehot), axis=-1)) * 1.0
    return loss_box + loss_obj + loss_cls

def _yolo_loss(pred0, pred1, pred2, boxes, labels):
    total = jnp.zeros((), dtype=jnp.float32)
    for i, pred in enumerate((pred0, pred1, pred2)):
        total = total + _scale_loss(pred, ANCHORS[i], STRIDES[i], boxes, labels, NUM_CLASSES)
    return jnp.reshape(total, (1,))

def setup_inputs(seed: int = 0):
    key = jax.random.key(seed)
    k1, k2, k3, k4, k5 = jax.random.split(key, 5)
    return {
        "pred0": jax.random.normal(k1, (16, 255, 64, 64), dtype=jnp.float32),
        "pred1": jax.random.normal(k2, (16, 255, 32, 32), dtype=jnp.float32),
        "pred2": jax.random.normal(k3, (16, 255, 16, 16), dtype=jnp.float32),
        "boxes": jax.random.uniform(k4, (16, 32, 4), dtype=jnp.float32, minval=0.02, maxval=0.98),
        "labels": jax.random.randint(k5, (16, 32), 0, 80),
    }

def reference(pred0, pred1, pred2, boxes, labels):
    return _yolo_loss(pred0, pred1, pred2, boxes, labels)

if __name__ == "__main__":
    import jax
    _d = setup_inputs()
    print(jax.jit(kernel)(*tuple(_d.values())))

</pallas_src>

<mosaic_0001>
#map = affine_map<(d0, d1) -> (0)>
#map1 = affine_map<(d0, d1) -> (0, 0)>
module attributes {stable_mosaic.version = 14 : i64} {
  func.func @_sc_body(%arg0: i32, %arg1: i32, %arg2: memref<16711680xf32, #tpu.memory_space<hbm>>, %arg3: memref<4177920xf32, #tpu.memory_space<hbm>>, %arg4: memref<1044480xf32, #tpu.memory_space<hbm>>, %arg5: memref<512xf32, #tpu.memory_space<hbm>>, %arg6: memref<512xf32, #tpu.memory_space<hbm>>, %arg7: memref<512xf32, #tpu.memory_space<hbm>>, %arg8: memref<512xf32, #tpu.memory_space<hbm>>, %arg9: memref<512xi32, #tpu.memory_space<hbm>>, %arg10: memref<32x16xf32, #tpu.memory_space<hbm>>, %arg11: memref<16xf32, #tpu.memory_space<vmem>>, %arg12: memref<16xf32, #tpu.memory_space<vmem>>, %arg13: memref<16xf32, #tpu.memory_space<vmem>>, %arg14: memref<16xf32, #tpu.memory_space<vmem>>, %arg15: memref<16xi32, #tpu.memory_space<vmem>>, %arg16: memref<4080xi32, #tpu.memory_space<vmem>>, %arg17: memref<4080xf32, #tpu.memory_space<vmem>>, %arg18: memref<16xf32, #tpu.memory_space<vmem>>, %arg19: memref<!tpu.dma_semaphore, #tpu.memory_space<semaphore_mem>>) attributes {dimension_semantics = [#tpu.dimension_semantics<core_parallel>, #tpu.dimension_semantics<subcore_parallel>], iteration_bounds = array<i64: 2, 16>, scalar_prefetch = 0 : i64, scratch_operands = 9 : i64, tpu.core_type = #tpu.core_type<sc_vector_subcore>, window_params = [{transform_indices = #map}, {transform_indices = #map}, {transform_indices = #map}, {transform_indices = #map}, {transform_indices = #map}, {transform_indices = #map}, {transform_indices = #map}, {transform_indices = #map}, {transform_indices = #map1}]} {
    %mul3A = arith.constant 16 : i32
    %mul3A_0 = arith.muli %arg0, %mul3A : i32
    %add3A = arith.addi %mul3A_0, %arg1 : i32
    %mul3A_1 = arith.constant 16 : i32
    %mul3A_2 = arith.muli %add3A, %mul3A_1 : i32
    "tpu.region"() ({
      %run_scoped3A = tpu.sem_alloc : memref<!tpu.dma_semaphore, #tpu.memory_space<semaphore_mem>>
      %dma_start3A_981 = tpu.memref_slice %arg5[%mul3A_2] : memref<512xf32, #tpu.memory_space<hbm>> -> memref<16xf32, #tpu.memory_space<hbm>>
      %dma_start3A_982 = tpu.memref_slice %arg5[%mul3A_2] : memref<512xf32, #tpu.memory_space<hbm>> -> memref<16xf32, #tpu.memory_space<hbm>>
      tpu.enqueue_dma source(%dma_start3A_982 : memref<16xf32, #tpu.memory_space<hbm>>) target(%arg11 : memref<16xf32, #tpu.memory_space<vmem>>) target_semaphore(%run_scoped3A : memref<!tpu.dma_semaphore, #tpu.memory_space<semaphore_mem>>)
      %dma_wait3A_983 = tpu.memref_slice %arg5[%mul3A_2] : memref<512xf32, #tpu.memory_space<hbm>> -> memref<16xf32, #tpu.memory_space<hbm>>
      %dma_wait3A_984 = tpu.memref_slice %arg5[%mul3A_2] : memref<512xf32, #tpu.memory_space<hbm>> -> memref<16xf32, #tpu.memory_space<hbm>>
      tpu.wait_dma2 semaphore(%run_scoped3A : memref<!tpu.dma_semaphore, #tpu.memory_space<semaphore_mem>>) src(%dma_wait3A_984 : memref<16xf32, #tpu.memory_space<hbm>>) dst(%arg11 : memref<16xf32, #tpu.memory_space<vmem>>)
      tpu.yield
    }) : () -> ()
    "tpu.region"() ({
      %run_scoped3A = tpu.sem_alloc : memref<!tpu.dma_semaphore, #tpu.memory_space<semaphore_mem>>
      %dma_start3A_981 = tpu.memref_slice %arg6[%mul3A_2] : memref<512xf32, #tpu.memory_space<hbm>> -> memref<16xf32, #tpu.memory_space<hbm>>
      %dma_start3A_982 = tpu.memref_slice %arg6[%mul3A_2] : memref<512xf32, #tpu.memory_space<hbm>> -> memref<16xf32, #tpu.memory_space<hbm>>
      tpu.enqueue_dma source(%dma_start3A_982 : memref<16xf32, #tpu.memory_space<hbm>>) target(%arg12 : memref<16xf32, #tpu.memory_space<vmem>>) target_semaphore(%run_scoped3A : memref<!tpu.dma_semaphore, #tpu.memory_space<semaphore_mem>>)
      %dma_wait3A_983 = tpu.memref_slice %arg6[%mul3A_2] : memref<512xf32, #tpu.memory_space<hbm>> -> memref<16xf32, #tpu.memory_space<hbm>>
      %dma_wait3A_984 = tpu.memref_slice %arg6[%mul3A_2] : memref<512xf32, #tpu.memory_space<hbm>> -> memref<16xf32, #tpu.memory_space<hbm>>
      tpu.wait_dma2 semaphore(%run_scoped3A : memref<!tpu.dma_semaphore, #tpu.memory_space<semaphore_mem>>) src(%dma_wait3A_984 : memref<16xf32, #tpu.memory_space<hbm>>) dst(%arg12 : memref<16xf32, #tpu.memory_space<vmem>>)
      tpu.yield
    }) : () -> ()
    "tpu.region"() ({
      %run_scoped3A = tpu.sem_alloc : memref<!tpu.dma_semaphore, #tpu.memory_space<semaphore_mem>>
      %dma_start3A_981 = tpu.memref_slice %arg7[%mul3A_2] : memref<512xf32, #tpu.memory_space<hbm>> -> memref<16xf32, #tpu.memory_space<hbm>>
      %dma_start3A_982 = tpu.memref_slice %arg7[%mul3A_2] : memref<512xf32, #tpu.memory_space<hbm>> -> memref<16xf32, #tpu.memory_space<hbm>>
      tpu.enqueue_dma source(%dma_start3A_982 : memref<16xf32, #tpu.memory_space<hbm>>) target(%arg13 : memref<16xf32, #tpu.memory_space<vmem>>) target_semaphore(%run_scoped3A : memref<!tpu.dma_semaphore, #tpu.memory_space<semaphore_mem>>)
      %dma_wait3A_983 = tpu.memref_slice %arg7[%mul3A_2] : memref<512xf32, #tpu.memory_space<hbm>> -> memref<16xf32, #tpu.memory_space<hbm>>
      %dma_wait3A_984 = tpu.memref_slice %arg7[%mul3A_2] : memref<512xf32, #tpu.memory_space<hbm>> -> memref<16xf32, #tpu.memory_space<hbm>>
      tpu.wait_dma2 semaphore(%run_scoped3A : memref<!tpu.dma_semaphore, #tpu.memory_space<semaphore_mem>>) src(%dma_wait3A_984 : memref<16xf32, #tpu.memory_space<hbm>>) dst(%arg13 : memref<16xf32, #tpu.memory_space<vmem>>)
      tpu.yield
    }) : () -> ()
    "tpu.region"() ({
      %run_scoped3A = tpu.sem_alloc : memref<!tpu.dma_semaphore, #tpu.memory_space<semaphore_mem>>
      %dma_start3A_981 = tpu.memref_slice %arg8[%mul3A_2] : memref<512xf32, #tpu.memory_space<hbm>> -> memref<16xf32, #tpu.memory_space<hbm>>
      %dma_start3A_982 = tpu.memref_slice %arg8[%mul3A_2] : memref<512xf32, #tpu.memory_space<hbm>> -> memref<16xf32, #tpu.memory_space<hbm>>
      tpu.enqueue_dma source(%dma_start3A_982 : memref<16xf32, #tpu.memory_space<hbm>>) target(%arg14 : memref<16xf32, #tpu.memory_space<vmem>>) target_semaphore(%run_scoped3A : memref<!tpu.dma_semaphore, #tpu.memory_space<semaphore_mem>>)
      %dma_wait3A_983 = tpu.memref_slice %arg8[%mul3A_2] : memref<512xf32, #tpu.memory_space<hbm>> -> memref<16xf32, #tpu.memory_space<hbm>>
      %dma_wait3A_984 = tpu.memref_slice %arg8[%mul3A_2] : memref<512xf32, #tpu.memory_space<hbm>> -> memref<16xf32, #tpu.memory_space<hbm>>
      tpu.wait_dma2 semaphore(%run_scoped3A : memref<!tpu.dma_semaphore, #tpu.memory_space<semaphore_mem>>) src(%dma_wait3A_984 : memref<16xf32, #tpu.memory_space<hbm>>) dst(%arg14 : memref<16xf32, #tpu.memory_space<vmem>>)
      tpu.yield
    }) : () -> ()
    "tpu.region"() ({
      %run_scoped3A = tpu.sem_alloc : memref<!tpu.dma_semaphore, #tpu.memory_space<semaphore_mem>>
      %dma_start3A_981 = tpu.memref_slice %arg9[%mul3A_2] : memref<512xi32, #tpu.memory_space<hbm>> -> memref<16xi32, #tpu.memory_space<hbm>>
      %dma_start3A_982 = tpu.memref_slice %arg9[%mul3A_2] : memref<512xi32, #tpu.memory_space<hbm>> -> memref<16xi32, #tpu.memory_space<hbm>>
      tpu.enqueue_dma source(%dma_start3A_982 : memref<16xi32, #tpu.memory_space<hbm>>) target(%arg15 : memref<16xi32, #tpu.memory_space<vmem>>) target_semaphore(%run_scoped3A : memref<!tpu.dma_semaphore, #tpu.memory_space<semaphore_mem>>)
      %dma_wait3A_983 = tpu.memref_slice %arg9[%mul3A_2] : memref<512xi32, #tpu.memory_space<hbm>> -> memref<16xi32, #tpu.memory_space<hbm>>
      %dma_wait3A_984 = tpu.memref_slice %arg9[%mul3A_2] : memref<512xi32, #tpu.memory_space<hbm>> -> memref<16xi32, #tpu.memory_space<hbm>>
      tpu.wait_dma2 semaphore(%run_scoped3A : memref<!tpu.dma_semaphore, #tpu.memory_space<semaphore_mem>>) src(%dma_wait3A_984 : memref<16xi32, #tpu.memory_space<hbm>>) dst(%arg15 : memref<16xi32, #tpu.memory_space<vmem>>)
      tpu.yield
    }) : () -> ()
    %get3A = arith.constant 0 : index
    %get3A_3 = tpu.vector_load %arg11[%get3A] {strides = array<i32>} : memref<16xf32, #tpu.memory_space<vmem>>, vector<16xf32>,
    %get3A_4 = vector.shape_cast %get3A_3 : vector<16xf32> to vector<16xf32>
    %get3A_5 = arith.constant 0 : index
    %get3A_6 = tpu.vector_load %arg12[%get3A_5] {strides = array<i32>} : memref<16xf32, #tpu.memory_space<vmem>>, vector<16xf32>,
    %get3A_7 = vector.shape_cast %get3A_6 : vector<16xf32> to vector<16xf32>
    %get3A_8 = arith.constant 0 : index
    %get3A_9 = tpu.vector_load %arg13[%get3A_8] {strides = array<i32>} : memref<16xf32, #tpu.memory_space<vmem>>, vector<16xf32>,
    %get3A_10 = vector.shape_cast %get3A_9 : vector<16xf32> to vector<16xf32>
    %get3A_11 = arith.constant 0 : index
    %get3A_12 = tpu.vector_load %arg14[%get3A_11] {strides = array<i32>} : memref<16xf32, #tpu.memory_space<vmem>>, vector<16xf32>,
    %get3A_13 = vector.shape_cast %get3A_12 : vector<16xf32> to vector<16xf32>
    %get3A_14 = arith.constant 0 : index
    %get3A_15 = tpu.vector_load %arg15[%get3A_14] {strides = array<i32>} : memref<16xi32, #tpu.memory_space<vmem>>, vector<16xi32>,
    %get3A_16 = vector.shape_cast %get3A_15 : vector<16xi32> to vector<16xi32>
    %iota3A = tpu.iota {dimensions = array<i32: 0>} : vector<16xi32>
    %add3A_17 = vector.broadcast %mul3A_2 : i32 to vector<16xi32>
    %add3A_18 = arith.addi %add3A_17, %iota3A : vector<16xi32>
    %shift_right_logical3A = arith.constant 5 : i32
    %shift_right_logical3A_19 = vector.broadcast %shift_right_logical3A : i32 to vector<16xi32>
    %shift_right_logical3A_20 = arith.shrui %add3A_18, %shift_right_logical3A_19 : vector<16xi32>
    %mul3A_21 = arith.constant 6.400000e+01 : f32
    %mul3A_22 = vector.broadcast %mul3A_21 : f32 to vector<16xf32>
    %mul3A_23 = arith.mulf %get3A_4, %mul3A_22 : vector<16xf32>
    %mul3A_24 = arith.constant 6.400000e+01 : f32
    %mul3A_25 = vector.broadcast %mul3A_24 : f32 to vector<16xf32>
    %mul3A_26 = arith.mulf %get3A_7, %mul3A_25 : vector<16xf32>
    %mul3A_27 = arith.constant 6.400000e+01 : f32
    %mul3A_28 = vector.broadcast %mul3A_27 : f32 to vector<16xf32>
    %mul3A_29 = arith.mulf %get3A_10, %mul3A_28 : vector<16xf32>
    %mul3A_30 = arith.constant 6.400000e+01 : f32
    %mul3A_31 = vector.broadcast %mul3A_30 : f32 to vector<16xf32>
    %mul3A_32 = arith.mulf %get3A_13, %mul3A_31 : vector<16xf32>
    %convert_element_type3A = arith.fptosi %mul3A_23 : vector<16xf32> to vector<16xi32>
    %max3A = arith.constant 0 : i32
    %max3A_33 = vector.broadcast %max3A : i32 to vector<16xi32>
    %max3A_34 = arith.maxsi %convert_element_type3A, %max3A_33 : vector<16xi32>
    %min3A = arith.constant 63 : i32
    %min3A_35 = vector.broadcast %min3A : i32 to vector<16xi32>
    %min3A_36 = arith.minsi %max3A_34, %min3A_35 : vector<16xi32>
    %convert_element_type3A_37 = arith.fptosi %mul3A_26 : vector<16xf32> to vector<16xi32>
    %max3A_38 = arith.constant 0 : i32
    %max3A_39 = vector.broadcast %max3A_38 : i32 to vector<16xi32>
    %max3A_40 = arith.maxsi %convert_element_type3A_37, %max3A_39 : vector<16xi32>
    %min3A_41 = arith.constant 63 : i32
    %min3A_42 = vector.broadcast %min3A_41 : i32 to vector<16xi32>
    %min3A_43 = arith.minsi %max3A_40, %min3A_42 : vector<16xi32>
    %convert_element_type3A_44 = arith.sitofp %min3A_36 : vector<16xi32> to vector<16xf32>
    %convert_element_type3A_45 = arith.sitofp %min3A_43 : vector<16xi32> to vector<16xf32>
    %broadcast_in_dim3A = arith.constant 0 : i32
    %broadcast_in_dim3A_46 = vector.broadcast %broadcast_in_dim3A : i32 to vector<16xi32>
    %div3A = arith.constant 1.250000e+00 : f32
    %div3A_47 = vector.broadcast %div3A : f32 to vector<16xf32>
    %div3A_48 = arith.divf %mul3A_29, %div3A_47 : vector<16xf32>
    %div3A_49 = arith.constant 1.250000e+00 : f32
    %div3A_50 = vector.broadcast %div3A_49 : f32 to vector<16xf32>
    %div3A_51 = arith.divf %div3A_50, %mul3A_29 : vector<16xf32>
    %max3A_52 = arith.maximumf %div3A_48, %div3A_51 : vector<16xf32>
    %div3A_53 = arith.constant 1.625000e+00 : f32
    %div3A_54 = vector.broadcast %div3A_53 : f32 to vector<16xf32>
    %div3A_55 = arith.divf %mul3A_32, %div3A_54 : vector<16xf32>
    %div3A_56 = arith.constant 1.625000e+00 : f32
    %div3A_57 = vector.broadcast %div3A_56 : f32 to vector<16xf32>
    %div3A_58 = arith.divf %div3A_57, %mul3A_32 : vector<16xf32>
    %max3A_59 = arith.maximumf %div3A_55, %div3A_58 : vector<16xf32>
    %max3A_60 = arith.maximumf %max3A_52, %max3A_59 : vector<16xf32>
    %broadcast_in_dim3A_61 = arith.constant 1.250000e+00 : f32
    %broadcast_in_dim3A_62 = vector.broadcast %broadcast_in_dim3A_61 : f32 to vector<16xf32>
    %broadcast_in_dim3A_63 = arith.constant 1.625000e+00 : f32
    %broadcast_in_dim3A_64 = vector.broadcast %broadcast_in_dim3A_63 : f32 to vector<16xf32>
    %div3A_65 = arith.constant 2.000000e+00 : f32
    %div3A_66 = vector.broadcast %div3A_65 : f32 to vector<16xf32>
    %div3A_67 = arith.divf %mul3A_29, %div3A_66 : vector<16xf32>
    %div3A_68 = arith.constant 2.000000e+00 : f32
    %div3A_69 = vector.broadcast %div3A_68 : f32 to vector<16xf32>
    %div3A_70 = arith.divf %div3A_69, %mul3A_29 : vector<16xf32>
    %max3A_71 = arith.maximumf %div3A_67, %div3A_70 : vector<16xf32>
    %div3A_72 = arith.constant 3.750000e+00 : f32
    %div3A_73 = vector.broadcast %div3A_72 : f32 to vector<16xf32>
    %div3A_74 = arith.divf %mul3A_32, %div3A_73 : vector<16xf32>
    %div3A_75 = arith.constant 3.750000e+00 : f32
    %div3A_76 = vector.broadcast %div3A_75 : f32 to vector<16xf32>
    %div3A_77 = arith.divf %div3A_76, %mul3A_32 : vector<16xf32>
    %max3A_78 = arith.maximumf %div3A_74, %div3A_77 : vector<16xf32>
    %max3A_79 = arith.maximumf %max3A_71, %max3A_78 : vector<16xf32>
    %lt3A = arith.cmpf olt, %max3A_79, %max3A_60 : vector<16xf32>
    %select_n3A = arith.select %lt3A, %max3A_79, %max3A_60 : vector<16xi1>, vector<16xf32>
    %jit3A = arith.constant 1 : i32
    %broadcast_in_dim3A_80 = vector.broadcast %jit3A : i32 to vector<16xi32>
    %select_n3A_81 = arith.select %lt3A, %broadcast_in_dim3A_80, %broadcast_in_dim3A_46 : vector<16xi1>, vector<16xi32>
    %jit3A_82 = arith.constant 2.000000e+00 : f32
    %broadcast_in_dim3A_83 = vector.broadcast %jit3A_82 : f32 to vector<16xf32>
    %select_n3A_84 = arith.select %lt3A, %broadcast_in_dim3A_83, %broadcast_in_dim3A_62 : vector<16xi1>, vector<16xf32>
    %jit3A_85 = arith.constant 3.750000e+00 : f32
    %broadcast_in_dim3A_86 = vector.broadcast %jit3A_85 : f32 to vector<16xf32>
    %select_n3A_87 = arith.select %lt3A, %broadcast_in_dim3A_86, %broadcast_in_dim3A_64 : vector<16xi1>, vector<16xf32>
    %div3A_88 = arith.constant 4.125000e+00 : f32
    %div3A_89 = vector.broadcast %div3A_88 : f32 to vector<16xf32>
    %div3A_90 = arith.divf %mul3A_29, %div3A_89 : vector<16xf32>
    %div3A_91 = arith.constant 4.125000e+00 : f32
    %div3A_92 = vector.broadcast %div3A_91 : f32 to vector<16xf32>
    %div3A_93 = arith.divf %div3A_92, %mul3A_29 : vector<16xf32>
    %max3A_94 = arith.maximumf %div3A_90, %div3A_93 : vector<16xf32>
    %div3A_95 = arith.constant 2.875000e+00 : f32
    %div3A_96 = vector.broadcast %div3A_95 : f32 to vector<16xf32>
    %div3A_97 = arith.divf %mul3A_32, %div3A_96 : vector<16xf32>
    %div3A_98 = arith.constant 2.875000e+00 : f32
    %div3A_99 = vector.broadcast %div3A_98 : f32 to vector<16xf32>
    %div3A_100 = arith.divf %div3A_99, %mul3A_32 : vector<16xf32>
    %max3A_101 = arith.maximumf %div3A_97, %div3A_100 : vector<16xf32>
    %max3A_102 = arith.maximumf %max3A_94, %max3A_101 : vector<16xf32>
    %lt3A_103 = arith.cmpf olt, %max3A_102, %select_n3A : vector<16xf32>
    %select_n3A_104 = arith.select %lt3A_103, %max3A_102, %select_n3A : vector<16xi1>, vector<16xf32>
    %jit3A_105 = arith.constant 2 : i32
    %broadcast_in_dim3A_106 = vector.broadcast %jit3A_105 : i32 to vector<16xi32>
    %select_n3A_107 = arith.select %lt3A_103, %broadcast_in_dim3A_106, %select_n3A_81 : vector<16xi1>, vector<16xi32>
    %jit3A_108 = arith.constant 4.125000e+00 : f32
    %broadcast_in_dim3A_109 = vector.broadcast %jit3A_108 : f32 to vector<16xf32>
    %select_n3A_110 = arith.select %lt3A_103, %broadcast_in_dim3A_109, %select_n3A_84 : vector<16xi1>, vector<16xf32>
    %jit3A_111 = arith.constant 2.875000e+00 : f32
    %broadcast_in_dim3A_112 = vector.broadcast %jit3A_111 : f32 to vector<16xf32>
    %select_n3A_113 = arith.select %lt3A_103, %broadcast_in_dim3A_112, %select_n3A_87 : vector<16xi1>, vector<16xf32>
    %mul3A_114 = arith.constant 255 : i32
    %mul3A_115 = vector.broadcast %mul3A_114 : i32 to vector<16xi32>
    %mul3A_116 = arith.muli %shift_right_logical3A_20, %mul3A_115 : vector<16xi32>
    %mul3A_117 = arith.constant 85 : i32
    %mul3A_118 = vector.broadcast %mul3A_117 : i32 to vector<16xi32>
    %mul3A_119 = arith.muli %select_n3A_107, %mul3A_118 : vector<16xi32>
    %add3A_120 = arith.addi %mul3A_116, %mul3A_119 : vector<16xi32>
    %mul3A_121 = arith.constant 64 : i32
    %mul3A_122 = vector.broadcast %mul3A_121 : i32 to vector<16xi32>
    %mul3A_123 = arith.muli %add3A_120, %mul3A_122 : vector<16xi32>
    %add3A_124 = arith.addi %mul3A_123, %min3A_43 : vector<16xi32>
    %mul3A_125 = arith.constant 64 : i32
    %mul3A_126 = vector.broadcast %mul3A_125 : i32 to vector<16xi32>
    %mul3A_127 = arith.muli %add3A_124, %mul3A_126 : vector<16xi32>
    %add3A_128 = arith.addi %mul3A_127, %min3A_36 : vector<16xi32>
    %scan3A = arith.constant 0 : i32
    %scan3A_129 = arith.constant 0 : i32
    %scan3A_130 = arith.constant 85 : i32
    %scan3A_131 = arith.addi %scan3A_129, %scan3A_130 : i32
    %scan3A_132 = arith.constant 1 : i32
    scf.for %scan3A_981 = %scan3A_129 to %scan3A_131 step %scan3A_132  : i32 {
      %mul3A_982 = arith.constant 4096 : i32
      %mul3A_983 = arith.muli %scan3A_981, %mul3A_982 : i32
      %add3A_984 = vector.broadcast %mul3A_983 : i32 to vector<16xi32>
      %add3A_985 = arith.addi %add3A_128, %add3A_984 : vector<16xi32>
      %mul3A_986 = arith.constant 16 : i32
      %mul3A_987 = arith.muli %scan3A_981, %mul3A_986 : i32
      %add3A_988 = arith.constant 0 : i32
      %add3A_989 = arith.addi %add3A_988, %mul3A_987 : i32
      %swap3A_990 = arith.index_cast %add3A_989 : i32 to index
      %swap3A_991 = tpu.vector_load %arg16[%swap3A_990] {strides = array<i32>} : memref<4080xi32, #tpu.memory_space<vmem>>, vector<16xi32>,
      %swap3A_992 = vector.shape_cast %swap3A_991 : vector<16xi32> to vector<16xi32>
      %swap3A_993 = vector.shape_cast %add3A_985 : vector<16xi32> to vector<16xi32>
      tpu.vector_store %arg16[%swap3A_990], %swap3A_993 {strides = array<i32>} : memref<4080xi32, #tpu.memory_space<vmem>>, vector<16xi32>,
    }
    %scan3A_133 = arith.constant 85 : i32
    %mul3A_134 = arith.constant 3.200000e+01 : f32
    %mul3A_135 = vector.broadcast %mul3A_134 : f32 to vector<16xf32>
    %mul3A_136 = arith.mulf %get3A_4, %mul3A_135 : vector<16xf32>
    %mul3A_137 = arith.constant 3.200000e+01 : f32
    %mul3A_138 = vector.broadcast %mul3A_137 : f32 to vector<16xf32>
    %mul3A_139 = arith.mulf %get3A_7, %mul3A_138 : vector<16xf32>
    %mul3A_140 = arith.constant 3.200000e+01 : f32
    %mul3A_141 = vector.broadcast %mul3A_140 : f32 to vector<16xf32>
    %mul3A_142 = arith.mulf %get3A_10, %mul3A_141 : vector<16xf32>
    %mul3A_143 = arith.constant 3.200000e+01 : f32
    %mul3A_144 = vector.broadcast %mul3A_143 : f32 to vector<16xf32>
    %mul3A_145 = arith.mulf %get3A_13, %mul3A_144 : vector<16xf32>
    %convert_element_type3A_146 = arith.fptosi %mul3A_136 : vector<16xf32> to vector<16xi32>
    %max3A_147 = arith.constant 0 : i32
    %max3A_148 = vector.broadcast %max3A_147 : i32 to vector<16xi32>
    %max3A_149 = arith.maxsi %convert_element_type3A_146, %max3A_148 : vector<16xi32>
    %min3A_150 = arith.constant 31 : i32
    %min3A_151 = vector.broadcast %min3A_150 : i32 to vector<16xi32>
    %min3A_152 = arith.minsi %max3A_149, %min3A_151 : vector<16xi32>
    %convert_element_type3A_153 = arith.fptosi %mul3A_139 : vector<16xf32> to vector<16xi32>
    %max3A_154 = arith.constant 0 : i32
    %max3A_155 = vector.broadcast %max3A_154 : i32 to vector<16xi32>
    %max3A_156 = arith.maxsi %convert_element_type3A_153, %max3A_155 : vector<16xi32>
    %min3A_157 = arith.constant 31 : i32
    %min3A_158 = vector.broadcast %min3A_157 : i32 to vector<16xi32>
    %min3A_159 = arith.minsi %max3A_156, %min3A_158 : vector<16xi32>
    %convert_element_type3A_160 = arith.sitofp %min3A_152 : vector<16xi32> to vector<16xf32>
    %convert_element_type3A_161 = arith.sitofp %min3A_159 : vector<16xi32> to vector<16xf32>
    %broadcast_in_dim3A_162 = arith.constant 0 : i32
    %broadcast_in_dim3A_163 = vector.broadcast %broadcast_in_dim3A_162 : i32 to vector<16xi32>
    %div3A_164 = arith.constant 1.875000e+00 : f32
    %div3A_165 = vector.broadcast %div3A_164 : f32 to vector<16xf32>
    %div3A_166 = arith.divf %mul3A_142, %div3A_165 : vector<16xf32>
    %div3A_167 = arith.constant 1.875000e+00 : f32
    %div3A_168 = vector.broadcast %div3A_167 : f32 to vector<16xf32>
    %div3A_169 = arith.divf %div3A_168, %mul3A_142 : vector<16xf32>
    %max3A_170 = arith.maximumf %div3A_166, %div3A_169 : vector<16xf32>
    %div3A_171 = arith.constant 3.812500e+00 : f32
    %div3A_172 = vector.broadcast %div3A_171 : f32 to vector<16xf32>
    %div3A_173 = arith.divf %mul3A_145, %div3A_172 : vector<16xf32>
    %div3A_174 = arith.constant 3.812500e+00 : f32
    %div3A_175 = vector.broadcast %div3A_174 : f32 to vector<16xf32>
    %div3A_176 = arith.divf %div3A_175, %mul3A_145 : vector<16xf32>
    %max3A_177 = arith.maximumf %div3A_173, %div3A_176 : vector<16xf32>
    %max3A_178 = arith.maximumf %max3A_170, %max3A_177 : vector<16xf32>
    %broadcast_in_dim3A_179 = arith.constant 1.875000e+00 : f32
    %broadcast_in_dim3A_180 = vector.broadcast %broadcast_in_dim3A_179 : f32 to vector<16xf32>
    %broadcast_in_dim3A_181 = arith.constant 3.812500e+00 : f32
    %broadcast_in_dim3A_182 = vector.broadcast %broadcast_in_dim3A_181 : f32 to vector<16xf32>
    %div3A_183 = arith.constant 3.875000e+00 : f32
    %div3A_184 = vector.broadcast %div3A_183 : f32 to vector<16xf32>
    %div3A_185 = arith.divf %mul3A_142, %div3A_184 : vector<16xf32>
    %div3A_186 = arith.constant 3.875000e+00 : f32
    %div3A_187 = vector.broadcast %div3A_186 : f32 to vector<16xf32>
    %div3A_188 = arith.divf %div3A_187, %mul3A_142 : vector<16xf32>
    %max3A_189 = arith.maximumf %div3A_185, %div3A_188 : vector<16xf32>
    %div3A_190 = arith.constant 2.812500e+00 : f32
    %div3A_191 = vector.broadcast %div3A_190 : f32 to vector<16xf32>
    %div3A_192 = arith.divf %mul3A_145, %div3A_191 : vector<16xf32>
    %div3A_193 = arith.constant 2.812500e+00 : f32
    %div3A_194 = vector.broadcast %div3A_193 : f32 to vector<16xf32>
    %div3A_195 = arith.divf %div3A_194, %mul3A_145 : vector<16xf32>
    %max3A_196 = arith.maximumf %div3A_192, %div3A_195 : vector<16xf32>
    %max3A_197 = arith.maximumf %max3A_189, %max3A_196 : vector<16xf32>
    %lt3A_198 = arith.cmpf olt, %max3A_197, %max3A_178 : vector<16xf32>
    %select_n3A_199 = arith.select %lt3A_198, %max3A_197, %max3A_178 : vector<16xi1>, vector<16xf32>
    %jit3A_200 = arith.constant 1 : i32
    %broadcast_in_dim3A_201 = vector.broadcast %jit3A_200 : i32 to vector<16xi32>
    %select_n3A_202 = arith.select %lt3A_198, %broadcast_in_dim3A_201, %broadcast_in_dim3A_163 : vector<16xi1>, vector<16xi32>
    %jit3A_203 = arith.constant 3.875000e+00 : f32
    %broadcast_in_dim3A_204 = vector.broadcast %jit3A_203 : f32 to vector<16xf32>
    %select_n3A_205 = arith.select %lt3A_198, %broadcast_in_dim3A_204, %broadcast_in_dim3A_180 : vector<16xi1>, vector<16xf32>
    %jit3A_206 = arith.constant 2.812500e+00 : f32
    %broadcast_in_dim3A_207 = vector.broadcast %jit3A_206 : f32 to vector<16xf32>
    %select_n3A_208 = arith.select %lt3A_198, %broadcast_in_dim3A_207, %broadcast_in_dim3A_182 : vector<16xi1>, vector<16xf32>
    %div3A_209 = arith.constant 3.687500e+00 : f32
    %div3A_210 = vector.broadcast %div3A_209 : f32 to vector<16xf32>
    %div3A_211 = arith.divf %mul3A_142, %div3A_210 : vector<16xf32>
    %div3A_212 = arith.constant 3.687500e+00 : f32
    %div3A_213 = vector.broadcast %div3A_212 : f32 to vector<16xf32>
    %div3A_214 = arith.divf %div3A_213, %mul3A_142 : vector<16xf32>
    %max3A_215 = arith.maximumf %div3A_211, %div3A_214 : vector<16xf32>
    %div3A_216 = arith.constant 7.437500e+00 : f32
    %div3A_217 = vector.broadcast %div3A_216 : f32 to vector<16xf32>
    %div3A_218 = arith.divf %mul3A_145, %div3A_217 : vector<16xf32>
    %div3A_219 = arith.constant 7.437500e+00 : f32
    %div3A_220 = vector.broadcast %div3A_219 : f32 to vector<16xf32>
    %div3A_221 = arith.divf %div3A_220, %mul3A_145 : vector<16xf32>
    %max3A_222 = arith.maximumf %div3A_218, %div3A_221 : vector<16xf32>
    %max3A_223 = arith.maximumf %max3A_215, %max3A_222 : vector<16xf32>
    %lt3A_224 = arith.cmpf olt, %max3A_223, %select_n3A_199 : vector<16xf32>
    %select_n3A_225 = arith.select %lt3A_224, %max3A_223, %select_n3A_199 : vector<16xi1>, vector<16xf32>
    %jit3A_226 = arith.constant 2 : i32
    %broadcast_in_dim3A_227 = vector.broadcast %jit3A_226 : i32 to vector<16xi32>
    %select_n3A_228 = arith.select %lt3A_224, %broadcast_in_dim3A_227, %select_n3A_202 : vector<16xi1>, vector<16xi32>
    %jit3A_229 = arith.constant 3.687500e+00 : f32
    %broadcast_in_dim3A_230 = vector.broadcast %jit3A_229 : f32 to vector<16xf32>
    %select_n3A_231 = arith.select %lt3A_224, %broadcast_in_dim3A_230, %select_n3A_205 : vector<16xi1>, vector<16xf32>
    %jit3A_232 = arith.constant 7.437500e+00 : f32
    %broadcast_in_dim3A_233 = vector.broadcast %jit3A_232 : f32 to vector<16xf32>
    %select_n3A_234 = arith.select %lt3A_224, %broadcast_in_dim3A_233, %select_n3A_208 : vector<16xi1>, vector<16xf32>
    %mul3A_235 = arith.constant 255 : i32
    %mul3A_236 = vector.broadcast %mul3A_235 : i32 to vector<16xi32>
    %mul3A_237 = arith.muli %shift_right_logical3A_20, %mul3A_236 : vector<16xi32>
    %mul3A_238 = arith.constant 85 : i32
    %mul3A_239 = vector.broadcast %mul3A_238 : i32 to vector<16xi32>
    %mul3A_240 = arith.muli %select_n3A_228, %mul3A_239 : vector<16xi32>
    %add3A_241 = arith.addi %mul3A_237, %mul3A_240 : vector<16xi32>
    %mul3A_242 = arith.constant 32 : i32
    %mul3A_243 = vector.broadcast %mul3A_242 : i32 to vector<16xi32>
    %mul3A_244 = arith.muli %add3A_241, %mul3A_243 : vector<16xi32>
    %add3A_245 = arith.addi %mul3A_244, %min3A_159 : vector<16xi32>
    %mul3A_246 = arith.constant 32 : i32
    %mul3A_247 = vector.broadcast %mul3A_246 : i32 to vector<16xi32>
    %mul3A_248 = arith.muli %add3A_245, %mul3A_247 : vector<16xi32>
    %add3A_249 = arith.addi %mul3A_248, %min3A_152 : vector<16xi32>
    %scan3A_250 = arith.constant 0 : i32
    %scan3A_251 = arith.constant 0 : i32
    %scan3A_252 = arith.constant 85 : i32
    %scan3A_253 = arith.addi %scan3A_251, %scan3A_252 : i32
    %scan3A_254 = arith.constant 1 : i32
    scf.for %scan3A_981 = %scan3A_251 to %scan3A_253 step %scan3A_254  : i32 {
      %mul3A_982 = arith.constant 1024 : i32
      %mul3A_983 = arith.muli %scan3A_981, %mul3A_982 : i32
      %add3A_984 = vector.broadcast %mul3A_983 : i32 to vector<16xi32>
      %add3A_985 = arith.addi %add3A_249, %add3A_984 : vector<16xi32>
      %mul3A_986 = arith.constant 16 : i32
      %mul3A_987 = arith.muli %scan3A_981, %mul3A_986 : i32
      %add3A_988 = arith.constant 1360 : i32
      %add3A_989 = arith.addi %add3A_988, %mul3A_987 : i32
      %swap3A_990 = arith.index_cast %add3A_989 : i32 to index
      %swap3A_991 = tpu.vector_load %arg16[%swap3A_990] {strides = array<i32>} : memref<4080xi32, #tpu.memory_space<vmem>>, vector<16xi32>,
      %swap3A_992 = vector.shape_cast %swap3A_991 : vector<16xi32> to vector<16xi32>
      %swap3A_993 = vector.shape_cast %add3A_985 : vector<16xi32> to vector<16xi32>
      tpu.vector_store %arg16[%swap3A_990], %swap3A_993 {strides = array<i32>} : memref<4080xi32, #tpu.memory_space<vmem>>, vector<16xi32>,
    }
    %scan3A_255 = arith.constant 85 : i32
    %mul3A_256 = arith.constant 1.600000e+01 : f32
    %mul3A_257 = vector.broadcast %mul3A_256 : f32 to vector<16xf32>
    %mul3A_258 = arith.mulf %get3A_4, %mul3A_257 : vector<16xf32>
    %mul3A_259 = arith.constant 1.600000e+01 : f32
    %mul3A_260 = vector.broadcast %mul3A_259 : f32 to vector<16xf32>
    %mul3A_261 = arith.mulf %get3A_7, %mul3A_260 : vector<16xf32>
    %mul3A_262 = arith.constant 1.600000e+01 : f32
    %mul3A_263 = vector.broadcast %mul3A_262 : f32 to vector<16xf32>
    %mul3A_264 = arith.mulf %get3A_10, %mul3A_263 : vector<16xf32>
    %mul3A_265 = arith.constant 1.600000e+01 : f32
    %mul3A_266 = vector.broadcast %mul3A_265 : f32 to vector<16xf32>
    %mul3A_267 = arith.mulf %get3A_13, %mul3A_266 : vector<16xf32>
    %convert_element_type3A_268 = arith.fptosi %mul3A_258 : vector<16xf32> to vector<16xi32>
    %max3A_269 = arith.constant 0 : i32
    %max3A_270 = vector.broadcast %max3A_269 : i32 to vector<16xi32>
    %max3A_271 = arith.maxsi %convert_element_type3A_268, %max3A_270 : vector<16xi32>
    %min3A_272 = arith.constant 15 : i32
    %min3A_273 = vector.broadcast %min3A_272 : i32 to vector<16xi32>
    %min3A_274 = arith.minsi %max3A_271, %min3A_273 : vector<16xi32>
    %convert_element_type3A_275 = arith.fptosi %mul3A_261 : vector<16xf32> to vector<16xi32>
    %max3A_276 = arith.constant 0 : i32
    %max3A_277 = vector.broadcast %max3A_276 : i32 to vector<16xi32>
    %max3A_278 = arith.maxsi %convert_element_type3A_275, %max3A_277 : vector<16xi32>
    %min3A_279 = arith.constant 15 : i32
    %min3A_280 = vector.broadcast %min3A_279 : i32 to vector<16xi32>
    %min3A_281 = arith.minsi %max3A_278, %min3A_280 : vector<16xi32>
    %convert_element_type3A_282 = arith.sitofp %min3A_274 : vector<16xi32> to vector<16xf32>
    %convert_element_type3A_283 = arith.sitofp %min3A_281 : vector<16xi32> to vector<16xf32>
    %broadcast_in_dim3A_284 = arith.constant 0 : i32
    %broadcast_in_dim3A_285 = vector.broadcast %broadcast_in_dim3A_284 : i32 to vector<16xi32>
    %div3A_286 = arith.constant 3.625000e+00 : f32
    %div3A_287 = vector.broadcast %div3A_286 : f32 to vector<16xf32>
    %div3A_288 = arith.divf %mul3A_264, %div3A_287 : vector<16xf32>
    %div3A_289 = arith.constant 3.625000e+00 : f32
    %div3A_290 = vector.broadcast %div3A_289 : f32 to vector<16xf32>
    %div3A_291 = arith.divf %div3A_290, %mul3A_264 : vector<16xf32>
    %max3A_292 = arith.maximumf %div3A_288, %div3A_291 : vector<16xf32>
    %div3A_293 = arith.constant 2.812500e+00 : f32
    %div3A_294 = vector.broadcast %div3A_293 : f32 to vector<16xf32>
    %div3A_295 = arith.divf %mul3A_267, %div3A_294 : vector<16xf32>
    %div3A_296 = arith.constant 2.812500e+00 : f32
    %div3A_297 = vector.broadcast %div3A_296 : f32 to vector<16xf32>
    %div3A_298 = arith.divf %div3A_297, %mul3A_267 : vector<16xf32>
    %max3A_299 = arith.maximumf %div3A_295, %div3A_298 : vector<16xf32>
    %max3A_300 = arith.maximumf %max3A_292, %max3A_299 : vector<16xf32>
    %broadcast_in_dim3A_301 = arith.constant 3.625000e+00 : f32
    %broadcast_in_dim3A_302 = vector.broadcast %broadcast_in_dim3A_301 : f32 to vector<16xf32>
    %broadcast_in_dim3A_303 = arith.constant 2.812500e+00 : f32
    %broadcast_in_dim3A_304 = vector.broadcast %broadcast_in_dim3A_303 : f32 to vector<16xf32>
    %div3A_305 = arith.constant 4.875000e+00 : f32
    %div3A_306 = vector.broadcast %div3A_305 : f32 to vector<16xf32>
    %div3A_307 = arith.divf %mul3A_264, %div3A_306 : vector<16xf32>
    %div3A_308 = arith.constant 4.875000e+00 : f32
    %div3A_309 = vector.broadcast %div3A_308 : f32 to vector<16xf32>
    %div3A_310 = arith.divf %div3A_309, %mul3A_264 : vector<16xf32>
    %max3A_311 = arith.maximumf %div3A_307, %div3A_310 : vector<16xf32>
    %div3A_312 = arith.constant 6.187500e+00 : f32
    %div3A_313 = vector.broadcast %div3A_312 : f32 to vector<16xf32>
    %div3A_314 = arith.divf %mul3A_267, %div3A_313 : vector<16xf32>
    %div3A_315 = arith.constant 6.187500e+00 : f32
    %div3A_316 = vector.broadcast %div3A_315 : f32 to vector<16xf32>
    %div3A_317 = arith.divf %div3A_316, %mul3A_267 : vector<16xf32>
    %max3A_318 = arith.maximumf %div3A_314, %div3A_317 : vector<16xf32>
    %max3A_319 = arith.maximumf %max3A_311, %max3A_318 : vector<16xf32>
    %lt3A_320 = arith.cmpf olt, %max3A_319, %max3A_300 : vector<16xf32>
    %select_n3A_321 = arith.select %lt3A_320, %max3A_319, %max3A_300 : vector<16xi1>, vector<16xf32>
    %jit3A_322 = arith.constant 1 : i32
    %broadcast_in_dim3A_323 = vector.broadcast %jit3A_322 : i32 to vector<16xi32>
    %select_n3A_324 = arith.select %lt3A_320, %broadcast_in_dim3A_323, %broadcast_in_dim3A_285 : vector<16xi1>, vector<16xi32>
    %jit3A_325 = arith.constant 4.875000e+00 : f32
    %broadcast_in_dim3A_326 = vector.broadcast %jit3A_325 : f32 to vector<16xf32>
    %select_n3A_327 = arith.select %lt3A_320, %broadcast_in_dim3A_326, %broadcast_in_dim3A_302 : vector<16xi1>, vector<16xf32>
    %jit3A_328 = arith.constant 6.187500e+00 : f32
    %broadcast_in_dim3A_329 = vector.broadcast %jit3A_328 : f32 to vector<16xf32>
    %select_n3A_330 = arith.select %lt3A_320, %broadcast_in_dim3A_329, %broadcast_in_dim3A_304 : vector<16xi1>, vector<16xf32>
    %div3A_331 = arith.constant 11.65625 : f32
    %div3A_332 = vector.broadcast %div3A_331 : f32 to vector<16xf32>
    %div3A_333 = arith.divf %mul3A_264, %div3A_332 : vector<16xf32>
    %div3A_334 = arith.constant 11.65625 : f32
    %div3A_335 = vector.broadcast %div3A_334 : f32 to vector<16xf32>
    %div3A_336 = arith.divf %div3A_335, %mul3A_264 : vector<16xf32>
    %max3A_337 = arith.maximumf %div3A_333, %div3A_336 : vector<16xf32>
    %div3A_338 = arith.constant 1.018750e+01 : f32
    %div3A_339 = vector.broadcast %div3A_338 : f32 to vector<16xf32>
    %div3A_340 = arith.divf %mul3A_267, %div3A_339 : vector<16xf32>
    %div3A_341 = arith.constant 1.018750e+01 : f32
    %div3A_342 = vector.broadcast %div3A_341 : f32 to vector<16xf32>
    %div3A_343 = arith.divf %div3A_342, %mul3A_267 : vector<16xf32>
    %max3A_344 = arith.maximumf %div3A_340, %div3A_343 : vector<16xf32>
    %max3A_345 = arith.maximumf %max3A_337, %max3A_344 : vector<16xf32>
    %lt3A_346 = arith.cmpf olt, %max3A_345, %select_n3A_321 : vector<16xf32>
    %select_n3A_347 = arith.select %lt3A_346, %max3A_345, %select_n3A_321 : vector<16xi1>, vector<16xf32>
    %jit3A_348 = arith.constant 2 : i32
    %broadcast_in_dim3A_349 = vector.broadcast %jit3A_348 : i32 to vector<16xi32>
    %select_n3A_350 = arith.select %lt3A_346, %broadcast_in_dim3A_349, %select_n3A_324 : vector<16xi1>, vector<16xi32>
    %jit3A_351 = arith.constant 11.65625 : f32
    %broadcast_in_dim3A_352 = vector.broadcast %jit3A_351 : f32 to vector<16xf32>
    %select_n3A_353 = arith.select %lt3A_346, %broadcast_in_dim3A_352, %select_n3A_327 : vector<16xi1>, vector<16xf32>
    %jit3A_354 = arith.constant 1.018750e+01 : f32
    %broadcast_in_dim3A_355 = vector.broadcast %jit3A_354 : f32 to vector<16xf32>
    %select_n3A_356 = arith.select %lt3A_346, %broadcast_in_dim3A_355, %select_n3A_330 : vector<16xi1>, vector<16xf32>
    %mul3A_357 = arith.constant 255 : i32
    %mul3A_358 = vector.broadcast %mul3A_357 : i32 to vector<16xi32>
    %mul3A_359 = arith.muli %shift_right_logical3A_20, %mul3A_358 : vector<16xi32>
    %mul3A_360 = arith.constant 85 : i32
    %mul3A_361 = vector.broadcast %mul3A_360 : i32 to vector<16xi32>
    %mul3A_362 = arith.muli %select_n3A_350, %mul3A_361 : vector<16xi32>
    %add3A_363 = arith.addi %mul3A_359, %mul3A_362 : vector<16xi32>
    %mul3A_364 = arith.constant 16 : i32
    %mul3A_365 = vector.broadcast %mul3A_364 : i32 to vector<16xi32>
    %mul3A_366 = arith.muli %add3A_363, %mul3A_365 : vector<16xi32>
    %add3A_367 = arith.addi %mul3A_366, %min3A_281 : vector<16xi32>
    %mul3A_368 = arith.constant 16 : i32
    %mul3A_369 = vector.broadcast %mul3A_368 : i32 to vector<16xi32>
    %mul3A_370 = arith.muli %add3A_367, %mul3A_369 : vector<16xi32>
    %add3A_371 = arith.addi %mul3A_370, %min3A_274 : vector<16xi32>
    %scan3A_372 = arith.constant 0 : i32
    %scan3A_373 = arith.constant 0 : i32
    %scan3A_374 = arith.constant 85 : i32
    %scan3A_375 = arith.addi %scan3A_373, %scan3A_374 : i32
    %scan3A_376 = arith.constant 1 : i32
    scf.for %scan3A_981 = %scan3A_373 to %scan3A_375 step %scan3A_376  : i32 {
      %mul3A_982 = arith.constant 256 : i32
      %mul3A_983 = arith.muli %scan3A_981, %mul3A_982 : i32
      %add3A_984 = vector.broadcast %mul3A_983 : i32 to vector<16xi32>
      %add3A_985 = arith.addi %add3A_371, %add3A_984 : vector<16xi32>
      %mul3A_986 = arith.constant 16 : i32
      %mul3A_987 = arith.muli %scan3A_981, %mul3A_986 : i32
      %add3A_988 = arith.constant 2720 : i32
      %add3A_989 = arith.addi %add3A_988, %mul3A_987 : i32
      %swap3A_990 = arith.index_cast %add3A_989 : i32 to index
      %swap3A_991 = tpu.vector_load %arg16[%swap3A_990] {strides = array<i32>} : memref<4080xi32, #tpu.memory_space<vmem>>, vector<16xi32>,
      %swap3A_992 = vector.shape_cast %swap3A_991 : vector<16xi32> to vector<16xi32>
      %swap3A_993 = vector.shape_cast %add3A_985 : vector<16xi32> to vector<16xi32>
      tpu.vector_store %arg16[%swap3A_990], %swap3A_993 {strides = array<i32>} : memref<4080xi32, #tpu.memory_space<vmem>>, vector<16xi32>,
    }
    %scan3A_377 = arith.constant 85 : i32
    %dma_start3A = arith.constant 0 : i32
    %dma_start3A_378 = tpu.memref_slice %arg17[%dma_start3A] : memref<4080xf32, #tpu.memory_space<vmem>> -> memref<1360xf32, #tpu.memory_space<vmem>>
    %dma_start3A_379 = arith.constant 0 : i32
    %dma_start3A_380 = tpu.memref_slice %arg16[%dma_start3A_379] : memref<4080xi32, #tpu.memory_space<vmem>> -> memref<1360xi32, #tpu.memory_space<vmem>>
    %dma_start3A_381 = arith.constant 0 : i32
    %dma_start3A_382 = tpu.memref_slice %arg2[%dma_start3A_381] : memref<16711680xf32, #tpu.memory_space<hbm>> -> memref<16711680xf32, #tpu.memory_space<hbm>>
    tpu.enqueue_indirect_dma source(%dma_start3A_382 : memref<16711680xf32, #tpu.memory_space<hbm>>) target(%dma_start3A_378 : memref<1360xf32, #tpu.memory_space<vmem>>) offsets(%dma_start3A_380 : memref<1360xi32, #tpu.memory_space<vmem>>) semaphore(%arg19 : memref<!tpu.dma_semaphore, #tpu.memory_space<semaphore_mem>>)
    %dma_wait3A = arith.constant 0 : i32
    %dma_wait3A_383 = tpu.memref_slice %arg17[%dma_wait3A] : memref<4080xf32, #tpu.memory_space<vmem>> -> memref<1360xf32, #tpu.memory_space<vmem>>
    %dma_wait3A_384 = arith.constant 0 : i32
    %dma_wait3A_385 = tpu.memref_slice %arg16[%dma_wait3A_384] : memref<4080xi32, #tpu.memory_space<vmem>> -> memref<1360xi32, #tpu.memory_space<vmem>>
    %dma_wait3A_386 = arith.constant 0 : i32
    %dma_wait3A_387 = tpu.memref_slice %arg2[%dma_wait3A_386] : memref<16711680xf32, #tpu.memory_space<hbm>> -> memref<16711680xf32, #tpu.memory_space<hbm>>
    tpu.wait_indirect_dma semaphore(%arg19 : memref<!tpu.dma_semaphore, #tpu.memory_space<semaphore_mem>>) src(%dma_wait3A_387 : memref<16711680xf32, #tpu.memory_space<hbm>>) dst(%dma_wait3A_383 : memref<1360xf32, #tpu.memory_space<vmem>>)
    %dma_start3A_388 = arith.constant 1360 : i32
    %dma_start3A_389 = tpu.memref_slice %arg17[%dma_start3A_388] : memref<4080xf32, #tpu.memory_space<vmem>> -> memref<1360xf32, #tpu.memory_space<vmem>>
    %dma_start3A_390 = arith.constant 1360 : i32
    %dma_start3A_391 = tpu.memref_slice %arg16[%dma_start3A_390] : memref<4080xi32, #tpu.memory_space<vmem>> -> memref<1360xi32, #tpu.memory_space<vmem>>
    %dma_start3A_392 = arith.constant 0 : i32
    %dma_start3A_393 = tpu.memref_slice %arg3[%dma_start3A_392] : memref<4177920xf32, #tpu.memory_space<hbm>> -> memref<4177920xf32, #tpu.memory_space<hbm>>
    tpu.enqueue_indirect_dma source(%dma_start3A_393 : memref<4177920xf32, #tpu.memory_space<hbm>>) target(%dma_start3A_389 : memref<1360xf32, #tpu.memory_space<vmem>>) offsets(%dma_start3A_391 : memref<1360xi32, #tpu.memory_space<vmem>>) semaphore(%arg19 : memref<!tpu.dma_semaphore, #tpu.memory_space<semaphore_mem>>)
    %dma_wait3A_394 = arith.constant 1360 : i32
    %dma_wait3A_395 = tpu.memref_slice %arg17[%dma_wait3A_394] : memref<4080xf32, #tpu.memory_space<vmem>> -> memref<1360xf32, #tpu.memory_space<vmem>>
    %dma_wait3A_396 = arith.constant 1360 : i32
    %dma_wait3A_397 = tpu.memref_slice %arg16[%dma_wait3A_396] : memref<4080xi32, #tpu.memory_space<vmem>> -> memref<1360xi32, #tpu.memory_space<vmem>>
    %dma_wait3A_398 = arith.constant 0 : i32
    %dma_wait3A_399 = tpu.memref_slice %arg3[%dma_wait3A_398] : memref<4177920xf32, #tpu.memory_space<hbm>> -> memref<4177920xf32, #tpu.memory_space<hbm>>
    tpu.wait_indirect_dma semaphore(%arg19 : memref<!tpu.dma_semaphore, #tpu.memory_space<semaphore_mem>>) src(%dma_wait3A_399 : memref<4177920xf32, #tpu.memory_space<hbm>>) dst(%dma_wait3A_395 : memref<1360xf32, #tpu.memory_space<vmem>>)
    %dma_start3A_400 = arith.constant 2720 : i32
    %dma_start3A_401 = tpu.memref_slice %arg17[%dma_start3A_400] : memref<4080xf32, #tpu.memory_space<vmem>> -> memref<1360xf32, #tpu.memory_space<vmem>>
    %dma_start3A_402 = arith.constant 2720 : i32
    %dma_start3A_403 = tpu.memref_slice %arg16[%dma_start3A_402] : memref<4080xi32, #tpu.memory_space<vmem>> -> memref<1360xi32, #tpu.memory_space<vmem>>
    %dma_start3A_404 = arith.constant 0 : i32
    %dma_start3A_405 = tpu.memref_slice %arg4[%dma_start3A_404] : memref<1044480xf32, #tpu.memory_space<hbm>> -> memref<1044480xf32, #tpu.memory_space<hbm>>
    tpu.enqueue_indirect_dma source(%dma_start3A_405 : memref<1044480xf32, #tpu.memory_space<hbm>>) target(%dma_start3A_401 : memref<1360xf32, #tpu.memory_space<vmem>>) offsets(%dma_start3A_403 : memref<1360xi32, #tpu.memory_space<vmem>>) semaphore(%arg19 : memref<!tpu.dma_semaphore, #tpu.memory_space<semaphore_mem>>)
    %dma_wait3A_406 = arith.constant 2720 : i32
    %dma_wait3A_407 = tpu.memref_slice %arg17[%dma_wait3A_406] : memref<4080xf32, #tpu.memory_space<vmem>> -> memref<1360xf32, #tpu.memory_space<vmem>>
    %dma_wait3A_408 = arith.constant 2720 : i32
    %dma_wait3A_409 = tpu.memref_slice %arg16[%dma_wait3A_408] : memref<4080xi32, #tpu.memory_space<vmem>> -> memref<1360xi32, #tpu.memory_space<vmem>>
    %dma_wait3A_410 = arith.constant 0 : i32
    %dma_wait3A_411 = tpu.memref_slice %arg4[%dma_wait3A_410] : memref<1044480xf32, #tpu.memory_space<hbm>> -> memref<1044480xf32, #tpu.memory_space<hbm>>
    tpu.wait_indirect_dma semaphore(%arg19 : memref<!tpu.dma_semaphore, #tpu.memory_space<semaphore_mem>>) src(%dma_wait3A_411 : memref<1044480xf32, #tpu.memory_space<hbm>>) dst(%dma_wait3A_407 : memref<1360xf32, #tpu.memory_space<vmem>>)
    %broadcast_in_dim3A_412 = arith.constant 0.000000e+00 : f32
    %broadcast_in_dim3A_413 = vector.broadcast %broadcast_in_dim3A_412 : f32 to vector<16xf32>
    %get3A_414 = arith.constant 0 : index
    %get3A_415 = tpu.vector_load %arg17[%get3A_414] {strides = array<i32>} : memref<4080xf32, #tpu.memory_space<vmem>>, vector<16xf32>,
    %get3A_416 = vector.shape_cast %get3A_415 : vector<16xf32> to vector<16xf32>
    %get3A_417 = arith.constant 16 : index
    %get3A_418 = tpu.vector_load %arg17[%get3A_417] {strides = array<i32>} : memref<4080xf32, #tpu.memory_space<vmem>>, vector<16xf32>,
    %get3A_419 = vector.shape_cast %get3A_418 : vector<16xf32> to vector<16xf32>
    %get3A_420 = arith.constant 32 : index
    %get3A_421 = tpu.vector_load %arg17[%get3A_420] {strides = array<i32>} : memref<4080xf32, #tpu.memory_space<vmem>>, vector<16xf32>,
    %get3A_422 = vector.shape_cast %get3A_421 : vector<16xf32> to vector<16xf32>
    %get3A_423 = arith.constant 48 : index
    %get3A_424 = tpu.vector_load %arg17[%get3A_423] {strides = array<i32>} : memref<4080xf32, #tpu.memory_space<vmem>>, vector<16xf32>,
    %get3A_425 = vector.shape_cast %get3A_424 : vector<16xf32> to vector<16xf32>
    %get3A_426 = arith.constant 64 : index
    %get3A_427 = tpu.vector_load %arg17[%get3A_426] {strides = array<i32>} : memref<4080xf32, #tpu.memory_space<vmem>>, vector<16xf32>,
    %get3A_428 = vector.shape_cast %get3A_427 : vector<16xf32> to vector<16xf32>
    %neg3A = arith.constant 0.000000e+00 : f32
    %neg3A_429 = vector.broadcast %neg3A : f32 to vector<16xf32>
    %neg3A_430 = arith.subf %neg3A_429, %get3A_416 : vector<16xf32>
    %exp3A = math.exp %neg3A_430 : vector<16xf32>
    %add3A_431 = arith.constant 1.000000e+00 : f32
    %add3A_432 = vector.broadcast %add3A_431 : f32 to vector<16xf32>
    %add3A_433 = arith.addf %add3A_432, %exp3A : vector<16xf32>
    %div3A_434 = arith.constant 1.000000e+00 : f32
    %div3A_435 = vector.broadcast %div3A_434 : f32 to vector<16xf32>
    %div3A_436 = arith.divf %div3A_435, %add3A_433 : vector<16xf32>
    %neg3A_437 = arith.constant 0.000000e+00 : f32
    %neg3A_438 = vector.broadcast %neg3A_437 : f32 to vector<16xf32>
    %neg3A_439 = arith.subf %neg3A_438, %get3A_419 : vector<16xf32>
    %exp3A_440 = math.exp %neg3A_439 : vector<16xf32>
    %add3A_441 = arith.constant 1.000000e+00 : f32
    %add3A_442 = vector.broadcast %add3A_441 : f32 to vector<16xf32>
    %add3A_443 = arith.addf %add3A_442, %exp3A_440 : vector<16xf32>
    %div3A_444 = arith.constant 1.000000e+00 : f32
    %div3A_445 = vector.broadcast %div3A_444 : f32 to vector<16xf32>
    %div3A_446 = arith.divf %div3A_445, %add3A_443 : vector<16xf32>
    %exp3A_447 = math.exp %get3A_422 : vector<16xf32>
    %mul3A_448 = arith.mulf %exp3A_447, %select_n3A_110 : vector<16xf32>
    %exp3A_449 = math.exp %get3A_425 : vector<16xf32>
    %mul3A_450 = arith.mulf %exp3A_449, %select_n3A_113 : vector<16xf32>
    %add3A_451 = arith.addf %div3A_436, %convert_element_type3A_44 : vector<16xf32>
    %add3A_452 = arith.addf %div3A_446, %convert_element_type3A_45 : vector<16xf32>
    %sub3A = arith.subf %mul3A_23, %convert_element_type3A_44 : vector<16xf32>
    %sub3A_453 = arith.subf %mul3A_26, %convert_element_type3A_45 : vector<16xf32>
    %mul3A_454 = arith.constant 5.000000e-01 : f32
    %mul3A_455 = vector.broadcast %mul3A_454 : f32 to vector<16xf32>
    %mul3A_456 = arith.mulf %mul3A_448, %mul3A_455 : vector<16xf32>
    %sub3A_457 = arith.subf %add3A_451, %mul3A_456 : vector<16xf32>
    %mul3A_458 = arith.constant 5.000000e-01 : f32
    %mul3A_459 = vector.broadcast %mul3A_458 : f32 to vector<16xf32>
    %mul3A_460 = arith.mulf %mul3A_448, %mul3A_459 : vector<16xf32>
    %add3A_461 = arith.addf %add3A_451, %mul3A_460 : vector<16xf32>
    %mul3A_462 = arith.constant 5.000000e-01 : f32
    %mul3A_463 = vector.broadcast %mul3A_462 : f32 to vector<16xf32>
    %mul3A_464 = arith.mulf %mul3A_450, %mul3A_463 : vector<16xf32>
    %sub3A_465 = arith.subf %add3A_452, %mul3A_464 : vector<16xf32>
    %mul3A_466 = arith.constant 5.000000e-01 : f32
    %mul3A_467 = vector.broadcast %mul3A_466 : f32 to vector<16xf32>
    %mul3A_468 = arith.mulf %mul3A_450, %mul3A_467 : vector<16xf32>
    %add3A_469 = arith.addf %add3A_452, %mul3A_468 : vector<16xf32>
    %mul3A_470 = arith.constant 5.000000e-01 : f32
    %mul3A_471 = vector.broadcast %mul3A_470 : f32 to vector<16xf32>
    %mul3A_472 = arith.mulf %mul3A_29, %mul3A_471 : vector<16xf32>
    %sub3A_473 = arith.subf %sub3A, %mul3A_472 : vector<16xf32>
    %mul3A_474 = arith.constant 5.000000e-01 : f32
    %mul3A_475 = vector.broadcast %mul3A_474 : f32 to vector<16xf32>
    %mul3A_476 = arith.mulf %mul3A_29, %mul3A_475 : vector<16xf32>
    %add3A_477 = arith.addf %sub3A, %mul3A_476 : vector<16xf32>
    %mul3A_478 = arith.constant 5.000000e-01 : f32
    %mul3A_479 = vector.broadcast %mul3A_478 : f32 to vector<16xf32>
    %mul3A_480 = arith.mulf %mul3A_32, %mul3A_479 : vector<16xf32>
    %sub3A_481 = arith.subf %sub3A_453, %mul3A_480 : vector<16xf32>
    %mul3A_482 = arith.constant 5.000000e-01 : f32
    %mul3A_483 = vector.broadcast %mul3A_482 : f32 to vector<16xf32>
    %mul3A_484 = arith.mulf %mul3A_32, %mul3A_483 : vector<16xf32>
    %add3A_485 = arith.addf %sub3A_453, %mul3A_484 : vector<16xf32>
    %min3A_486 = arith.minimumf %add3A_461, %add3A_477 : vector<16xf32>
    %max3A_487 = arith.maximumf %sub3A_457, %sub3A_473 : vector<16xf32>
    %sub3A_488 = arith.subf %min3A_486, %max3A_487 : vector<16xf32>
    %max3A_489 = arith.constant 0.000000e+00 : f32
    %max3A_490 = vector.broadcast %max3A_489 : f32 to vector<16xf32>
    %max3A_491 = arith.maximumf %sub3A_488, %max3A_490 : vector<16xf32>
    %min3A_492 = arith.minimumf %add3A_469, %add3A_485 : vector<16xf32>
    %max3A_493 = arith.maximumf %sub3A_465, %sub3A_481 : vector<16xf32>
    %sub3A_494 = arith.subf %min3A_492, %max3A_493 : vector<16xf32>
    %max3A_495 = arith.constant 0.000000e+00 : f32
    %max3A_496 = vector.broadcast %max3A_495 : f32 to vector<16xf32>
    %max3A_497 = arith.maximumf %sub3A_494, %max3A_496 : vector<16xf32>
    %mul3A_498 = arith.mulf %max3A_491, %max3A_497 : vector<16xf32>
    %add3A_499 = arith.constant 1.000000e-07 : f32
    %add3A_500 = vector.broadcast %add3A_499 : f32 to vector<16xf32>
    %add3A_501 = arith.addf %mul3A_450, %add3A_500 : vector<16xf32>
    %mul3A_502 = arith.mulf %mul3A_448, %add3A_501 : vector<16xf32>
    %add3A_503 = arith.constant 1.000000e-07 : f32
    %add3A_504 = vector.broadcast %add3A_503 : f32 to vector<16xf32>
    %add3A_505 = arith.addf %mul3A_32, %add3A_504 : vector<16xf32>
    %mul3A_506 = arith.mulf %mul3A_29, %add3A_505 : vector<16xf32>
    %add3A_507 = arith.addf %mul3A_502, %mul3A_506 : vector<16xf32>
    %sub3A_508 = arith.subf %add3A_507, %mul3A_498 : vector<16xf32>
    %add3A_509 = arith.constant 1.000000e-07 : f32
    %add3A_510 = vector.broadcast %add3A_509 : f32 to vector<16xf32>
    %add3A_511 = arith.addf %sub3A_508, %add3A_510 : vector<16xf32>
    %div3A_512 = arith.divf %mul3A_498, %add3A_511 : vector<16xf32>
    %max3A_513 = arith.maximumf %add3A_461, %add3A_477 : vector<16xf32>
    %min3A_514 = arith.minimumf %sub3A_457, %sub3A_473 : vector<16xf32>
    %sub3A_515 = arith.subf %max3A_513, %min3A_514 : vector<16xf32>
    %max3A_516 = arith.maximumf %add3A_469, %add3A_485 : vector<16xf32>
    %min3A_517 = arith.minimumf %sub3A_465, %sub3A_481 : vector<16xf32>
    %sub3A_518 = arith.subf %max3A_516, %min3A_517 : vector<16xf32>
    %mul3A_519 = arith.mulf %sub3A_515, %sub3A_515 : vector<16xf32>
    %mul3A_520 = arith.mulf %sub3A_518, %sub3A_518 : vector<16xf32>
    %add3A_521 = arith.addf %mul3A_519, %mul3A_520 : vector<16xf32>
    %add3A_522 = arith.constant 1.000000e-07 : f32
    %add3A_523 = vector.broadcast %add3A_522 : f32 to vector<16xf32>
    %add3A_524 = arith.addf %add3A_521, %add3A_523 : vector<16xf32>
    %add3A_525 = arith.addf %sub3A_473, %add3A_477 : vector<16xf32>
    %sub3A_526 = arith.subf %add3A_525, %sub3A_457 : vector<16xf32>
    %sub3A_527 = arith.subf %sub3A_526, %add3A_461 : vector<16xf32>
    %add3A_528 = arith.addf %sub3A_481, %add3A_485 : vector<16xf32>
    %sub3A_529 = arith.subf %add3A_528, %sub3A_465 : vector<16xf32>
    %sub3A_530 = arith.subf %sub3A_529, %add3A_469 : vector<16xf32>
    %mul3A_531 = arith.mulf %sub3A_527, %sub3A_527 : vector<16xf32>
    %mul3A_532 = arith.mulf %sub3A_530, %sub3A_530 : vector<16xf32>
    %add3A_533 = arith.addf %mul3A_531, %mul3A_532 : vector<16xf32>
    %mul3A_534 = arith.constant 2.500000e-01 : f32
    %mul3A_535 = vector.broadcast %mul3A_534 : f32 to vector<16xf32>
    %mul3A_536 = arith.mulf %add3A_533, %mul3A_535 : vector<16xf32>
    %div3A_537 = arith.divf %mul3A_536, %add3A_524 : vector<16xf32>
    %sub3A_538 = arith.subf %div3A_512, %div3A_537 : vector<16xf32>
    %sub3A_539 = arith.constant 1.000000e+00 : f32
    %sub3A_540 = vector.broadcast %sub3A_539 : f32 to vector<16xf32>
    %sub3A_541 = arith.subf %sub3A_540, %sub3A_538 : vector<16xf32>
    %mul3A_542 = arith.constant 5.000000e+00 : f32
    %mul3A_543 = vector.broadcast %mul3A_542 : f32 to vector<16xf32>
    %mul3A_544 = arith.mulf %mul3A_543, %sub3A_541 : vector<16xf32>
    %add3A_545 = arith.addf %broadcast_in_dim3A_413, %mul3A_544 : vector<16xf32>
    %neg3A_546 = arith.constant 0.000000e+00 : f32
    %neg3A_547 = vector.broadcast %neg3A_546 : f32 to vector<16xf32>
    %neg3A_548 = arith.subf %neg3A_547, %get3A_428 : vector<16xf32>
    %exp3A_549 = math.exp %neg3A_548 : vector<16xf32>
    %add3A_550 = arith.constant 1.000000e+00 : f32
    %add3A_551 = vector.broadcast %add3A_550 : f32 to vector<16xf32>
    %add3A_552 = arith.addf %add3A_551, %exp3A_549 : vector<16xf32>
    %div3A_553 = arith.constant 1.000000e+00 : f32
    %div3A_554 = vector.broadcast %div3A_553 : f32 to vector<16xf32>
    %div3A_555 = arith.divf %div3A_554, %add3A_552 : vector<16xf32>
    %neg3A_556 = arith.constant 0.000000e+00 : f32
    %neg3A_557 = vector.broadcast %neg3A_556 : f32 to vector<16xf32>
    %neg3A_558 = arith.subf %neg3A_557, %div3A_555 : vector<16xf32>
    %exp3A_559 = math.exp %neg3A_558 : vector<16xf32>
    %add3A_560 = arith.constant 2.000000e+00 : f32
    %add3A_561 = vector.broadcast %add3A_560 : f32 to vector<16xf32>
    %add3A_562 = arith.addf %exp3A_559, %add3A_561 : vector<16xf32>
    %div3A_563 = arith.divf %exp3A_559, %add3A_562 : vector<16xf32>
    %mul3A_564 = arith.mulf %div3A_563, %div3A_563 : vector<16xf32>
    %mul3A_565 = arith.constant 2.000000e+00 : f32
    %mul3A_566 = vector.broadcast %mul3A_565 : f32 to vector<16xf32>
    %mul3A_567 = arith.mulf %mul3A_566, %div3A_563 : vector<16xf32>
    %mul3A_568 = arith.constant 0.111111112 : f32
    %mul3A_569 = vector.broadcast %mul3A_568 : f32 to vector<16xf32>
    %mul3A_570 = arith.mulf %mul3A_564, %mul3A_569 : vector<16xf32>
    %add3A_571 = arith.constant 0.142857149 : f32
    %add3A_572 = vector.broadcast %add3A_571 : f32 to vector<16xf32>
    %add3A_573 = arith.addf %add3A_572, %mul3A_570 : vector<16xf32>
    %mul3A_574 = arith.mulf %mul3A_564, %add3A_573 : vector<16xf32>
    %add3A_575 = arith.constant 2.000000e-01 : f32
    %add3A_576 = vector.broadcast %add3A_575 : f32 to vector<16xf32>
    %add3A_577 = arith.addf %add3A_576, %mul3A_574 : vector<16xf32>
    %mul3A_578 = arith.mulf %mul3A_564, %add3A_577 : vector<16xf32>
    %add3A_579 = arith.constant 0.333333343 : f32
    %add3A_580 = vector.broadcast %add3A_579 : f32 to vector<16xf32>
    %add3A_581 = arith.addf %add3A_580, %mul3A_578 : vector<16xf32>
    %mul3A_582 = arith.mulf %mul3A_564, %add3A_581 : vector<16xf32>
    %add3A_583 = arith.constant 1.000000e+00 : f32
    %add3A_584 = vector.broadcast %add3A_583 : f32 to vector<16xf32>
    %add3A_585 = arith.addf %add3A_584, %mul3A_582 : vector<16xf32>
    %mul3A_586 = arith.mulf %mul3A_567, %add3A_585 : vector<16xf32>
    %add3A_587 = arith.addf %add3A_545, %mul3A_586 : vector<16xf32>
    %broadcast_in_dim3A_588 = arith.constant 0.000000e+00 : f32
    %broadcast_in_dim3A_589 = vector.broadcast %broadcast_in_dim3A_588 : f32 to vector<16xf32>
    %scan3A_590 = arith.constant 0 : i32
    %scan3A_591 = arith.constant 80 : i32
    %scan3A_592 = arith.addi %scan3A_590, %scan3A_591 : i32
    %scan3A_593 = arith.constant 1 : i32
    %scan3A_594 = scf.for %scan3A_981 = %scan3A_590 to %scan3A_592 step %scan3A_593 iter_args(%scan3A_982 = %broadcast_in_dim3A_589) -> (vector<16xf32>)  : i32 {
      %add3A_983 = arith.constant 5 : i32
      %add3A_984 = arith.addi %add3A_983, %scan3A_981 : i32
      %mul3A_985 = arith.constant 16 : i32
      %mul3A_986 = arith.muli %add3A_984, %mul3A_985 : i32
      %add3A_987 = arith.constant 0 : i32
      %add3A_988 = arith.addi %add3A_987, %mul3A_986 : i32
      %get3A_989 = arith.index_cast %add3A_988 : i32 to index
      %get3A_990 = tpu.vector_load %arg17[%get3A_989] {strides = array<i32>} : memref<4080xf32, #tpu.memory_space<vmem>>, vector<16xf32>,
      %get3A_991 = vector.shape_cast %get3A_990 : vector<16xf32> to vector<16xf32>
      %neg3A_992 = arith.constant 0.000000e+00 : f32
      %neg3A_993 = vector.broadcast %neg3A_992 : f32 to vector<16xf32>
      %neg3A_994 = arith.subf %neg3A_993, %get3A_991 : vector<16xf32>
      %exp3A_995 = math.exp %neg3A_994 : vector<16xf32>
      %add3A_996 = arith.constant 1.000000e+00 : f32
      %add3A_997 = vector.broadcast %add3A_996 : f32 to vector<16xf32>
      %add3A_998 = arith.addf %add3A_997, %exp3A_995 : vector<16xf32>
      %div3A_999 = arith.constant 1.000000e+00 : f32
      %div3A_1000 = vector.broadcast %div3A_999 : f32 to vector<16xf32>
      %div3A_1001 = arith.divf %div3A_1000, %add3A_998 : vector<16xf32>
      %eq3A = vector.broadcast %scan3A_981 : i32 to vector<16xi32>
      %eq3A_1002 = arith.cmpi eq, %get3A_16, %eq3A : vector<16xi32>
      %jit3A_1003 = arith.constant 1.000000e+00 : f32
      %jit3A_1004 = arith.constant 0.000000e+00 : f32
      %broadcast_in_dim3A_1005 = vector.broadcast %jit3A_1003 : f32 to vector<16xf32>
      %broadcast_in_dim3A_1006 = vector.broadcast %jit3A_1004 : f32 to vector<16xf32>
      %select_n3A_1007 = arith.select %eq3A_1002, %broadcast_in_dim3A_1005, %broadcast_in_dim3A_1006 : vector<16xi1>, vector<16xf32>
      %sub3A_1008 = arith.constant 1.000000e+00 : f32
      %sub3A_1009 = vector.broadcast %sub3A_1008 : f32 to vector<16xf32>
      %sub3A_1010 = arith.subf %sub3A_1009, %select_n3A_1007 : vector<16xf32>
      %mul3A_1011 = arith.mulf %div3A_1001, %sub3A_1010 : vector<16xf32>
      %add3A_1012 = arith.addf %scan3A_982, %mul3A_1011 : vector<16xf32>
      %neg3A_1013 = arith.constant 0.000000e+00 : f32
      %neg3A_1014 = vector.broadcast %neg3A_1013 : f32 to vector<16xf32>
      %neg3A_1015 = arith.subf %neg3A_1014, %div3A_1001 : vector<16xf32>
      %exp3A_1016 = math.exp %neg3A_1015 : vector<16xf32>
      %add3A_1017 = arith.constant 2.000000e+00 : f32
      %add3A_1018 = vector.broadcast %add3A_1017 : f32 to vector<16xf32>
      %add3A_1019 = arith.addf %exp3A_1016, %add3A_1018 : vector<16xf32>
      %div3A_1020 = arith.divf %exp3A_1016, %add3A_1019 : vector<16xf32>
      %mul3A_1021 = arith.mulf %div3A_1020, %div3A_1020 : vector<16xf32>
      %mul3A_1022 = arith.constant 2.000000e+00 : f32
      %mul3A_1023 = vector.broadcast %mul3A_1022 : f32 to vector<16xf32>
      %mul3A_1024 = arith.mulf %mul3A_1023, %div3A_1020 : vector<16xf32>
      %mul3A_1025 = arith.constant 0.111111112 : f32
      %mul3A_1026 = vector.broadcast %mul3A_1025 : f32 to vector<16xf32>
      %mul3A_1027 = arith.mulf %mul3A_1021, %mul3A_1026 : vector<16xf32>
      %add3A_1028 = arith.constant 0.142857149 : f32
      %add3A_1029 = vector.broadcast %add3A_1028 : f32 to vector<16xf32>
      %add3A_1030 = arith.addf %add3A_1029, %mul3A_1027 : vector<16xf32>
      %mul3A_1031 = arith.mulf %mul3A_1021, %add3A_1030 : vector<16xf32>
      %add3A_1032 = arith.constant 2.000000e-01 : f32
      %add3A_1033 = vector.broadcast %add3A_1032 : f32 to vector<16xf32>
      %add3A_1034 = arith.addf %add3A_1033, %mul3A_1031 : vector<16xf32>
      %mul3A_1035 = arith.mulf %mul3A_1021, %add3A_1034 : vector<16xf32>
      %add3A_1036 = arith.constant 0.333333343 : f32
      %add3A_1037 = vector.broadcast %add3A_1036 : f32 to vector<16xf32>
      %add3A_1038 = arith.addf %add3A_1037, %mul3A_1035 : vector<16xf32>
      %mul3A_1039 = arith.mulf %mul3A_1021, %add3A_1038 : vector<16xf32>
      %add3A_1040 = arith.constant 1.000000e+00 : f32
      %add3A_1041 = vector.broadcast %add3A_1040 : f32 to vector<16xf32>
      %add3A_1042 = arith.addf %add3A_1041, %mul3A_1039 : vector<16xf32>
      %mul3A_1043 = arith.mulf %mul3A_1024, %add3A_1042 : vector<16xf32>
      %add3A_1044 = arith.addf %add3A_1012, %mul3A_1043 : vector<16xf32>
      scf.yield %add3A_1044 : vector<16xf32>
    }
    %scan3A_595 = arith.constant 80 : i32
    %mul3A_596 = arith.constant 1.250000e-02 : f32
    %mul3A_597 = vector.broadcast %mul3A_596 : f32 to vector<16xf32>
    %mul3A_598 = arith.mulf %scan3A_594, %mul3A_597 : vector<16xf32>
    %add3A_599 = arith.addf %add3A_587, %mul3A_598 : vector<16xf32>
    %get3A_600 = arith.constant 1360 : index
    %get3A_601 = tpu.vector_load %arg17[%get3A_600] {strides = array<i32>} : memref<4080xf32, #tpu.memory_space<vmem>>, vector<16xf32>,
    %get3A_602 = vector.shape_cast %get3A_601 : vector<16xf32> to vector<16xf32>
    %get3A_603 = arith.constant 1376 : index
    %get3A_604 = tpu.vector_load %arg17[%get3A_603] {strides = array<i32>} : memref<4080xf32, #tpu.memory_space<vmem>>, vector<16xf32>,
    %get3A_605 = vector.shape_cast %get3A_604 : vector<16xf32> to vector<16xf32>
    %get3A_606 = arith.constant 1392 : index
    %get3A_607 = tpu.vector_load %arg17[%get3A_606] {strides = array<i32>} : memref<4080xf32, #tpu.memory_space<vmem>>, vector<16xf32>,
    %get3A_608 = vector.shape_cast %get3A_607 : vector<16xf32> to vector<16xf32>
    %get3A_609 = arith.constant 1408 : index
    %get3A_610 = tpu.vector_load %arg17[%get3A_609] {strides = array<i32>} : memref<4080xf32, #tpu.memory_space<vmem>>, vector<16xf32>,
    %get3A_611 = vector.shape_cast %get3A_610 : vector<16xf32> to vector<16xf32>
    %get3A_612 = arith.constant 1424 : index
    %get3A_613 = tpu.vector_load %arg17[%get3A_612] {strides = array<i32>} : memref<4080xf32, #tpu.memory_space<vmem>>, vector<16xf32>,
    %get3A_614 = vector.shape_cast %get3A_613 : vector<16xf32> to vector<16xf32>
    %neg3A_615 = arith.constant 0.000000e+00 : f32
    %neg3A_616 = vector.broadcast %neg3A_615 : f32 to vector<16xf32>
    %neg3A_617 = arith.subf %neg3A_616, %get3A_602 : vector<16xf32>
    %exp3A_618 = math.exp %neg3A_617 : vector<16xf32>
    %add3A_619 = arith.constant 1.000000e+00 : f32
    %add3A_620 = vector.broadcast %add3A_619 : f32 to vector<16xf32>
    %add3A_621 = arith.addf %add3A_620, %exp3A_618 : vector<16xf32>
    %div3A_622 = arith.constant 1.000000e+00 : f32
    %div3A_623 = vector.broadcast %div3A_622 : f32 to vector<16xf32>
    %div3A_624 = arith.divf %div3A_623, %add3A_621 : vector<16xf32>
    %neg3A_625 = arith.constant 0.000000e+00 : f32
    %neg3A_626 = vector.broadcast %neg3A_625 : f32 to vector<16xf32>
    %neg3A_627 = arith.subf %neg3A_626, %get3A_605 : vector<16xf32>
    %exp3A_628 = math.exp %neg3A_627 : vector<16xf32>
    %add3A_629 = arith.constant 1.000000e+00 : f32
    %add3A_630 = vector.broadcast %add3A_629 : f32 to vector<16xf32>
    %add3A_631 = arith.addf %add3A_630, %exp3A_628 : vector<16xf32>
    %div3A_632 = arith.constant 1.000000e+00 : f32
    %div3A_633 = vector.broadcast %div3A_632 : f32 to vector<16xf32>
    %div3A_634 = arith.divf %div3A_633, %add3A_631 : vector<16xf32>
    %exp3A_635 = math.exp %get3A_608 : vector<16xf32>
    %mul3A_636 = arith.mulf %exp3A_635, %select_n3A_231 : vector<16xf32>
    %exp3A_637 = math.exp %get3A_611 : vector<16xf32>
    %mul3A_638 = arith.mulf %exp3A_637, %select_n3A_234 : vector<16xf32>
    %add3A_639 = arith.addf %div3A_624, %convert_element_type3A_160 : vector<16xf32>
    %add3A_640 = arith.addf %div3A_634, %convert_element_type3A_161 : vector<16xf32>
    %sub3A_641 = arith.subf %mul3A_136, %convert_element_type3A_160 : vector<16xf32>
    %sub3A_642 = arith.subf %mul3A_139, %convert_element_type3A_161 : vector<16xf32>
    %mul3A_643 = arith.constant 5.000000e-01 : f32
    %mul3A_644 = vector.broadcast %mul3A_643 : f32 to vector<16xf32>
    %mul3A_645 = arith.mulf %mul3A_636, %mul3A_644 : vector<16xf32>
    %sub3A_646 = arith.subf %add3A_639, %mul3A_645 : vector<16xf32>
    %mul3A_647 = arith.constant 5.000000e-01 : f32
    %mul3A_648 = vector.broadcast %mul3A_647 : f32 to vector<16xf32>
    %mul3A_649 = arith.mulf %mul3A_636, %mul3A_648 : vector<16xf32>
    %add3A_650 = arith.addf %add3A_639, %mul3A_649 : vector<16xf32>
    %mul3A_651 = arith.constant 5.000000e-01 : f32
    %mul3A_652 = vector.broadcast %mul3A_651 : f32 to vector<16xf32>
    %mul3A_653 = arith.mulf %mul3A_638, %mul3A_652 : vector<16xf32>
    %sub3A_654 = arith.subf %add3A_640, %mul3A_653 : vector<16xf32>
    %mul3A_655 = arith.constant 5.000000e-01 : f32
    %mul3A_656 = vector.broadcast %mul3A_655 : f32 to vector<16xf32>
    %mul3A_657 = arith.mulf %mul3A_638, %mul3A_656 : vector<16xf32>
    %add3A_658 = arith.addf %add3A_640, %mul3A_657 : vector<16xf32>
    %mul3A_659 = arith.constant 5.000000e-01 : f32
    %mul3A_660 = vector.broadcast %mul3A_659 : f32 to vector<16xf32>
    %mul3A_661 = arith.mulf %mul3A_142, %mul3A_660 : vector<16xf32>
    %sub3A_662 = arith.subf %sub3A_641, %mul3A_661 : vector<16xf32>
    %mul3A_663 = arith.constant 5.000000e-01 : f32
    %mul3A_664 = vector.broadcast %mul3A_663 : f32 to vector<16xf32>
    %mul3A_665 = arith.mulf %mul3A_142, %mul3A_664 : vector<16xf32>
    %add3A_666 = arith.addf %sub3A_641, %mul3A_665 : vector<16xf32>
    %mul3A_667 = arith.constant 5.000000e-01 : f32
    %mul3A_668 = vector.broadcast %mul3A_667 : f32 to vector<16xf32>
    %mul3A_669 = arith.mulf %mul3A_145, %mul3A_668 : vector<16xf32>
    %sub3A_670 = arith.subf %sub3A_642, %mul3A_669 : vector<16xf32>
    %mul3A_671 = arith.constant 5.000000e-01 : f32
    %mul3A_672 = vector.broadcast %mul3A_671 : f32 to vector<16xf32>
    %mul3A_673 = arith.mulf %mul3A_145, %mul3A_672 : vector<16xf32>
    %add3A_674 = arith.addf %sub3A_642, %mul3A_673 : vector<16xf32>
    %min3A_675 = arith.minimumf %add3A_650, %add3A_666 : vector<16xf32>
    %max3A_676 = arith.maximumf %sub3A_646, %sub3A_662 : vector<16xf32>
    %sub3A_677 = arith.subf %min3A_675, %max3A_676 : vector<16xf32>
    %max3A_678 = arith.constant 0.000000e+00 : f32
    %max3A_679 = vector.broadcast %max3A_678 : f32 to vector<16xf32>
    %max3A_680 = arith.maximumf %sub3A_677, %max3A_679 : vector<16xf32>
    %min3A_681 = arith.minimumf %add3A_658, %add3A_674 : vector<16xf32>
    %max3A_682 = arith.maximumf %sub3A_654, %sub3A_670 : vector<16xf32>
    %sub3A_683 = arith.subf %min3A_681, %max3A_682 : vector<16xf32>
    %max3A_684 = arith.constant 0.000000e+00 : f32
    %max3A_685 = vector.broadcast %max3A_684 : f32 to vector<16xf32>
    %max3A_686 = arith.maximumf %sub3A_683, %max3A_685 : vector<16xf32>
    %mul3A_687 = arith.mulf %max3A_680, %max3A_686 : vector<16xf32>
    %add3A_688 = arith.constant 1.000000e-07 : f32
    %add3A_689 = vector.broadcast %add3A_688 : f32 to vector<16xf32>
    %add3A_690 = arith.addf %mul3A_638, %add3A_689 : vector<16xf32>
    %mul3A_691 = arith.mulf %mul3A_636, %add3A_690 : vector<16xf32>
    %add3A_692 = arith.constant 1.000000e-07 : f32
    %add3A_693 = vector.broadcast %add3A_692 : f32 to vector<16xf32>
    %add3A_694 = arith.addf %mul3A_145, %add3A_693 : vector<16xf32>
    %mul3A_695 = arith.mulf %mul3A_142, %add3A_694 : vector<16xf32>
    %add3A_696 = arith.addf %mul3A_691, %mul3A_695 : vector<16xf32>
    %sub3A_697 = arith.subf %add3A_696, %mul3A_687 : vector<16xf32>
    %add3A_698 = arith.constant 1.000000e-07 : f32
    %add3A_699 = vector.broadcast %add3A_698 : f32 to vector<16xf32>
    %add3A_700 = arith.addf %sub3A_697, %add3A_699 : vector<16xf32>
    %div3A_701 = arith.divf %mul3A_687, %add3A_700 : vector<16xf32>
    %max3A_702 = arith.maximumf %add3A_650, %add3A_666 : vector<16xf32>
    %min3A_703 = arith.minimumf %sub3A_646, %sub3A_662 : vector<16xf32>
    %sub3A_704 = arith.subf %max3A_702, %min3A_703 : vector<16xf32>
    %max3A_705 = arith.maximumf %add3A_658, %add3A_674 : vector<16xf32>
    %min3A_706 = arith.minimumf %sub3A_654, %sub3A_670 : vector<16xf32>
    %sub3A_707 = arith.subf %max3A_705, %min3A_706 : vector<16xf32>
    %mul3A_708 = arith.mulf %sub3A_704, %sub3A_704 : vector<16xf32>
    %mul3A_709 = arith.mulf %sub3A_707, %sub3A_707 : vector<16xf32>
    %add3A_710 = arith.addf %mul3A_708, %mul3A_709 : vector<16xf32>
    %add3A_711 = arith.constant 1.000000e-07 : f32
    %add3A_712 = vector.broadcast %add3A_711 : f32 to vector<16xf32>
    %add3A_713 = arith.addf %add3A_710, %add3A_712 : vector<16xf32>
    %add3A_714 = arith.addf %sub3A_662, %add3A_666 : vector<16xf32>
    %sub3A_715 = arith.subf %add3A_714, %sub3A_646 : vector<16xf32>
    %sub3A_716 = arith.subf %sub3A_715, %add3A_650 : vector<16xf32>
    %add3A_717 = arith.addf %sub3A_670, %add3A_674 : vector<16xf32>
    %sub3A_718 = arith.subf %add3A_717, %sub3A_654 : vector<16xf32>
    %sub3A_719 = arith.subf %sub3A_718, %add3A_658 : vector<16xf32>
    %mul3A_720 = arith.mulf %sub3A_716, %sub3A_716 : vector<16xf32>
    %mul3A_721 = arith.mulf %sub3A_719, %sub3A_719 : vector<16xf32>
    %add3A_722 = arith.addf %mul3A_720, %mul3A_721 : vector<16xf32>
    %mul3A_723 = arith.constant 2.500000e-01 : f32
    %mul3A_724 = vector.broadcast %mul3A_723 : f32 to vector<16xf32>
    %mul3A_725 = arith.mulf %add3A_722, %mul3A_724 : vector<16xf32>
    %div3A_726 = arith.divf %mul3A_725, %add3A_713 : vector<16xf32>
    %sub3A_727 = arith.subf %div3A_701, %div3A_726 : vector<16xf32>
    %sub3A_728 = arith.constant 1.000000e+00 : f32
    %sub3A_729 = vector.broadcast %sub3A_728 : f32 to vector<16xf32>
    %sub3A_730 = arith.subf %sub3A_729, %sub3A_727 : vector<16xf32>
    %mul3A_731 = arith.constant 5.000000e+00 : f32
    %mul3A_732 = vector.broadcast %mul3A_731 : f32 to vector<16xf32>
    %mul3A_733 = arith.mulf %mul3A_732, %sub3A_730 : vector<16xf32>
    %add3A_734 = arith.addf %add3A_599, %mul3A_733 : vector<16xf32>
    %neg3A_735 = arith.constant 0.000000e+00 : f32
    %neg3A_736 = vector.broadcast %neg3A_735 : f32 to vector<16xf32>
    %neg3A_737 = arith.subf %neg3A_736, %get3A_614 : vector<16xf32>
    %exp3A_738 = math.exp %neg3A_737 : vector<16xf32>
    %add3A_739 = arith.constant 1.000000e+00 : f32
    %add3A_740 = vector.broadcast %add3A_739 : f32 to vector<16xf32>
    %add3A_741 = arith.addf %add3A_740, %exp3A_738 : vector<16xf32>
    %div3A_742 = arith.constant 1.000000e+00 : f32
    %div3A_743 = vector.broadcast %div3A_742 : f32 to vector<16xf32>
    %div3A_744 = arith.divf %div3A_743, %add3A_741 : vector<16xf32>
    %neg3A_745 = arith.constant 0.000000e+00 : f32
    %neg3A_746 = vector.broadcast %neg3A_745 : f32 to vector<16xf32>
    %neg3A_747 = arith.subf %neg3A_746, %div3A_744 : vector<16xf32>
    %exp3A_748 = math.exp %neg3A_747 : vector<16xf32>
    %add3A_749 = arith.constant 2.000000e+00 : f32
    %add3A_750 = vector.broadcast %add3A_749 : f32 to vector<16xf32>
    %add3A_751 = arith.addf %exp3A_748, %add3A_750 : vector<16xf32>
    %div3A_752 = arith.divf %exp3A_748, %add3A_751 : vector<16xf32>
    %mul3A_753 = arith.mulf %div3A_752, %div3A_752 : vector<16xf32>
    %mul3A_754 = arith.constant 2.000000e+00 : f32
    %mul3A_755 = vector.broadcast %mul3A_754 : f32 to vector<16xf32>
    %mul3A_756 = arith.mulf %mul3A_755, %div3A_752 : vector<16xf32>
    %mul3A_757 = arith.constant 0.111111112 : f32
    %mul3A_758 = vector.broadcast %mul3A_757 : f32 to vector<16xf32>
    %mul3A_759 = arith.mulf %mul3A_753, %mul3A_758 : vector<16xf32>
    %add3A_760 = arith.constant 0.142857149 : f32
    %add3A_761 = vector.broadcast %add3A_760 : f32 to vector<16xf32>
    %add3A_762 = arith.addf %add3A_761, %mul3A_759 : vector<16xf32>
    %mul3A_763 = arith.mulf %mul3A_753, %add3A_762 : vector<16xf32>
    %add3A_764 = arith.constant 2.000000e-01 : f32
    %add3A_765 = vector.broadcast %add3A_764 : f32 to vector<16xf32>
    %add3A_766 = arith.addf %add3A_765, %mul3A_763 : vector<16xf32>
    %mul3A_767 = arith.mulf %mul3A_753, %add3A_766 : vector<16xf32>
    %add3A_768 = arith.constant 0.333333343 : f32
    %add3A_769 = vector.broadcast %add3A_768 : f32 to vector<16xf32>
    %add3A_770 = arith.addf %add3A_769, %mul3A_767 : vector<16xf32>
    %mul3A_771 = arith.mulf %mul3A_753, %add3A_770 : vector<16xf32>
    %add3A_772 = arith.constant 1.000000e+00 : f32
    %add3A_773 = vector.broadcast %add3A_772 : f32 to vector<16xf32>
    %add3A_774 = arith.addf %add3A_773, %mul3A_771 : vector<16xf32>
    %mul3A_775 = arith.mulf %mul3A_756, %add3A_774 : vector<16xf32>
    %add3A_776 = arith.addf %add3A_734, %mul3A_775 : vector<16xf32>
    %broadcast_in_dim3A_777 = arith.constant 0.000000e+00 : f32
    %broadcast_in_dim3A_778 = vector.broadcast %broadcast_in_dim3A_777 : f32 to vector<16xf32>
    %scan3A_779 = arith.constant 0 : i32
    %scan3A_780 = arith.constant 80 : i32
    %scan3A_781 = arith.addi %scan3A_779, %scan3A_780 : i32
    %scan3A_782 = arith.constant 1 : i32
    %scan3A_783 = scf.for %scan3A_981 = %scan3A_779 to %scan3A_781 step %scan3A_782 iter_args(%scan3A_982 = %broadcast_in_dim3A_778) -> (vector<16xf32>)  : i32 {
      %add3A_983 = arith.constant 5 : i32
      %add3A_984 = arith.addi %add3A_983, %scan3A_981 : i32
      %mul3A_985 = arith.constant 16 : i32
      %mul3A_986 = arith.muli %add3A_984, %mul3A_985 : i32
      %add3A_987 = arith.constant 1360 : i32
      %add3A_988 = arith.addi %add3A_987, %mul3A_986 : i32
      %get3A_989 = arith.index_cast %add3A_988 : i32 to index
      %get3A_990 = tpu.vector_load %arg17[%get3A_989] {strides = array<i32>} : memref<4080xf32, #tpu.memory_space<vmem>>, vector<16xf32>,
      %get3A_991 = vector.shape_cast %get3A_990 : vector<16xf32> to vector<16xf32>
      %neg3A_992 = arith.constant 0.000000e+00 : f32
      %neg3A_993 = vector.broadcast %neg3A_992 : f32 to vector<16xf32>
      %neg3A_994 = arith.subf %neg3A_993, %get3A_991 : vector<16xf32>
      %exp3A_995 = math.exp %neg3A_994 : vector<16xf32>
      %add3A_996 = arith.constant 1.000000e+00 : f32
      %add3A_997 = vector.broadcast %add3A_996 : f32 to vector<16xf32>
      %add3A_998 = arith.addf %add3A_997, %exp3A_995 : vector<16xf32>
      %div3A_999 = arith.constant 1.000000e+00 : f32
      %div3A_1000 = vector.broadcast %div3A_999 : f32 to vector<16xf32>
      %div3A_1001 = arith.divf %div3A_1000, %add3A_998 : vector<16xf32>
      %eq3A = vector.broadcast %scan3A_981 : i32 to vector<16xi32>
      %eq3A_1002 = arith.cmpi eq, %get3A_16, %eq3A : vector<16xi32>
      %jit3A_1003 = arith.constant 1.000000e+00 : f32
      %jit3A_1004 = arith.constant 0.000000e+00 : f32
      %broadcast_in_dim3A_1005 = vector.broadcast %jit3A_1003 : f32 to vector<16xf32>
      %broadcast_in_dim3A_1006 = vector.broadcast %jit3A_1004 : f32 to vector<16xf32>
      %select_n3A_1007 = arith.select %eq3A_1002, %broadcast_in_dim3A_1005, %broadcast_in_dim3A_1006 : vector<16xi1>, vector<16xf32>
      %sub3A_1008 = arith.constant 1.000000e+00 : f32
      %sub3A_1009 = vector.broadcast %sub3A_1008 : f32 to vector<16xf32>
      %sub3A_1010 = arith.subf %sub3A_1009, %select_n3A_1007 : vector<16xf32>
      %mul3A_1011 = arith.mulf %div3A_1001, %sub3A_1010 : vector<16xf32>
      %add3A_1012 = arith.addf %scan3A_982, %mul3A_1011 : vector<16xf32>
      %neg3A_1013 = arith.constant 0.000000e+00 : f32
      %neg3A_1014 = vector.broadcast %neg3A_1013 : f32 to vector<16xf32>
      %neg3A_1015 = arith.subf %neg3A_1014, %div3A_1001 : vector<16xf32>
      %exp3A_1016 = math.exp %neg3A_1015 : vector<16xf32>
      %add3A_1017 = arith.constant 2.000000e+00 : f32
      %add3A_1018 = vector.broadcast %add3A_1017 : f32 to vector<16xf32>
      %add3A_1019 = arith.addf %exp3A_1016, %add3A_1018 : vector<16xf32>
      %div3A_1020 = arith.divf %exp3A_1016, %add3A_1019 : vector<16xf32>
      %mul3A_1021 = arith.mulf %div3A_1020, %div3A_1020 : vector<16xf32>
      %mul3A_1022 = arith.constant 2.000000e+00 : f32
      %mul3A_1023 = vector.broadcast %mul3A_1022 : f32 to vector<16xf32>
      %mul3A_1024 = arith.mulf %mul3A_1023, %div3A_1020 : vector<16xf32>
      %mul3A_1025 = arith.constant 0.111111112 : f32
      %mul3A_1026 = vector.broadcast %mul3A_1025 : f32 to vector<16xf32>
      %mul3A_1027 = arith.mulf %mul3A_1021, %mul3A_1026 : vector<16xf32>
      %add3A_1028 = arith.constant 0.142857149 : f32
      %add3A_1029 = vector.broadcast %add3A_1028 : f32 to vector<16xf32>
      %add3A_1030 = arith.addf %add3A_1029, %mul3A_1027 : vector<16xf32>
      %mul3A_1031 = arith.mulf %mul3A_1021, %add3A_1030 : vector<16xf32>
      %add3A_1032 = arith.constant 2.000000e-01 : f32
      %add3A_1033 = vector.broadcast %add3A_1032 : f32 to vector<16xf32>
      %add3A_1034 = arith.addf %add3A_1033, %mul3A_1031 : vector<16xf32>
      %mul3A_1035 = arith.mulf %mul3A_1021, %add3A_1034 : vector<16xf32>
      %add3A_1036 = arith.constant 0.333333343 : f32
      %add3A_1037 = vector.broadcast %add3A_1036 : f32 to vector<16xf32>
      %add3A_1038 = arith.addf %add3A_1037, %mul3A_1035 : vector<16xf32>
      %mul3A_1039 = arith.mulf %mul3A_1021, %add3A_1038 : vector<16xf32>
      %add3A_1040 = arith.constant 1.000000e+00 : f32
      %add3A_1041 = vector.broadcast %add3A_1040 : f32 to vector<16xf32>
      %add3A_1042 = arith.addf %add3A_1041, %mul3A_1039 : vector<16xf32>
      %mul3A_1043 = arith.mulf %mul3A_1024, %add3A_1042 : vector<16xf32>
      %add3A_1044 = arith.addf %add3A_1012, %mul3A_1043 : vector<16xf32>
      scf.yield %add3A_1044 : vector<16xf32>
    }
    %scan3A_784 = arith.constant 80 : i32
    %mul3A_785 = arith.constant 1.250000e-02 : f32
    %mul3A_786 = vector.broadcast %mul3A_785 : f32 to vector<16xf32>
    %mul3A_787 = arith.mulf %scan3A_783, %mul3A_786 : vector<16xf32>
    %add3A_788 = arith.addf %add3A_776, %mul3A_787 : vector<16xf32>
    %get3A_789 = arith.constant 2720 : index
    %get3A_790 = tpu.vector_load %arg17[%get3A_789] {strides = array<i32>} : memref<4080xf32, #tpu.memory_space<vmem>>, vector<16xf32>,
    %get3A_791 = vector.shape_cast %get3A_790 : vector<16xf32> to vector<16xf32>
    %get3A_792 = arith.constant 2736 : index
    %get3A_793 = tpu.vector_load %arg17[%get3A_792] {strides = array<i32>} : memref<4080xf32, #tpu.memory_space<vmem>>, vector<16xf32>,
    %get3A_794 = vector.shape_cast %get3A_793 : vector<16xf32> to vector<16xf32>
    %get3A_795 = arith.constant 2752 : index
    %get3A_796 = tpu.vector_load %arg17[%get3A_795] {strides = array<i32>} : memref<4080xf32, #tpu.memory_space<vmem>>, vector<16xf32>,
    %get3A_797 = vector.shape_cast %get3A_796 : vector<16xf32> to vector<16xf32>
    %get3A_798 = arith.constant 2768 : index
    %get3A_799 = tpu.vector_load %arg17[%get3A_798] {strides = array<i32>} : memref<4080xf32, #tpu.memory_space<vmem>>, vector<16xf32>,
    %get3A_800 = vector.shape_cast %get3A_799 : vector<16xf32> to vector<16xf32>
    %get3A_801 = arith.constant 2784 : index
    %get3A_802 = tpu.vector_load %arg17[%get3A_801] {strides = array<i32>} : memref<4080xf32, #tpu.memory_space<vmem>>, vector<16xf32>,
    %get3A_803 = vector.shape_cast %get3A_802 : vector<16xf32> to vector<16xf32>
    %neg3A_804 = arith.constant 0.000000e+00 : f32
    %neg3A_805 = vector.broadcast %neg3A_804 : f32 to vector<16xf32>
    %neg3A_806 = arith.subf %neg3A_805, %get3A_791 : vector<16xf32>
    %exp3A_807 = math.exp %neg3A_806 : vector<16xf32>
    %add3A_808 = arith.constant 1.000000e+00 : f32
    %add3A_809 = vector.broadcast %add3A_808 : f32 to vector<16xf32>
    %add3A_810 = arith.addf %add3A_809, %exp3A_807 : vector<16xf32>
    %div3A_811 = arith.constant 1.000000e+00 : f32
    %div3A_812 = vector.broadcast %div3A_811 : f32 to vector<16xf32>
    %div3A_813 = arith.divf %div3A_812, %add3A_810 : vector<16xf32>
    %neg3A_814 = arith.constant 0.000000e+00 : f32
    %neg3A_815 = vector.broadcast %neg3A_814 : f32 to vector<16xf32>
    %neg3A_816 = arith.subf %neg3A_815, %get3A_794 : vector<16xf32>
    %exp3A_817 = math.exp %neg3A_816 : vector<16xf32>
    %add3A_818 = arith.constant 1.000000e+00 : f32
    %add3A_819 = vector.broadcast %add3A_818 : f32 to vector<16xf32>
    %add3A_820 = arith.addf %add3A_819, %exp3A_817 : vector<16xf32>
    %div3A_821 = arith.constant 1.000000e+00 : f32
    %div3A_822 = vector.broadcast %div3A_821 : f32 to vector<16xf32>
    %div3A_823 = arith.divf %div3A_822, %add3A_820 : vector<16xf32>
    %exp3A_824 = math.exp %get3A_797 : vector<16xf32>
    %mul3A_825 = arith.mulf %exp3A_824, %select_n3A_353 : vector<16xf32>
    %exp3A_826 = math.exp %get3A_800 : vector<16xf32>
    %mul3A_827 = arith.mulf %exp3A_826, %select_n3A_356 : vector<16xf32>
    %add3A_828 = arith.addf %div3A_813, %convert_element_type3A_282 : vector<16xf32>
    %add3A_829 = arith.addf %div3A_823, %convert_element_type3A_283 : vector<16xf32>
    %sub3A_830 = arith.subf %mul3A_258, %convert_element_type3A_282 : vector<16xf32>
    %sub3A_831 = arith.subf %mul3A_261, %convert_element_type3A_283 : vector<16xf32>
    %mul3A_832 = arith.constant 5.000000e-01 : f32
    %mul3A_833 = vector.broadcast %mul3A_832 : f32 to vector<16xf32>
    %mul3A_834 = arith.mulf %mul3A_825, %mul3A_833 : vector<16xf32>
    %sub3A_835 = arith.subf %add3A_828, %mul3A_834 : vector<16xf32>
    %mul3A_836 = arith.constant 5.000000e-01 : f32
    %mul3A_837 = vector.broadcast %mul3A_836 : f32 to vector<16xf32>
    %mul3A_838 = arith.mulf %mul3A_825, %mul3A_837 : vector<16xf32>
    %add3A_839 = arith.addf %add3A_828, %mul3A_838 : vector<16xf32>
    %mul3A_840 = arith.constant 5.000000e-01 : f32
    %mul3A_841 = vector.broadcast %mul3A_840 : f32 to vector<16xf32>
    %mul3A_842 = arith.mulf %mul3A_827, %mul3A_841 : vector<16xf32>
    %sub3A_843 = arith.subf %add3A_829, %mul3A_842 : vector<16xf32>
    %mul3A_844 = arith.constant 5.000000e-01 : f32
    %mul3A_845 = vector.broadcast %mul3A_844 : f32 to vector<16xf32>
    %mul3A_846 = arith.mulf %mul3A_827, %mul3A_845 : vector<16xf32>
    %add3A_847 = arith.addf %add3A_829, %mul3A_846 : vector<16xf32>
    %mul3A_848 = arith.constant 5.000000e-01 : f32
    %mul3A_849 = vector.broadcast %mul3A_848 : f32 to vector<16xf32>
    %mul3A_850 = arith.mulf %mul3A_264, %mul3A_849 : vector<16xf32>
    %sub3A_851 = arith.subf %sub3A_830, %mul3A_850 : vector<16xf32>
    %mul3A_852 = arith.constant 5.000000e-01 : f32
    %mul3A_853 = vector.broadcast %mul3A_852 : f32 to vector<16xf32>
    %mul3A_854 = arith.mulf %mul3A_264, %mul3A_853 : vector<16xf32>
    %add3A_855 = arith.addf %sub3A_830, %mul3A_854 : vector<16xf32>
    %mul3A_856 = arith.constant 5.000000e-01 : f32
    %mul3A_857 = vector.broadcast %mul3A_856 : f32 to vector<16xf32>
    %mul3A_858 = arith.mulf %mul3A_267, %mul3A_857 : vector<16xf32>
    %sub3A_859 = arith.subf %sub3A_831, %mul3A_858 : vector<16xf32>
    %mul3A_860 = arith.constant 5.000000e-01 : f32
    %mul3A_861 = vector.broadcast %mul3A_860 : f32 to vector<16xf32>
    %mul3A_862 = arith.mulf %mul3A_267, %mul3A_861 : vector<16xf32>
    %add3A_863 = arith.addf %sub3A_831, %mul3A_862 : vector<16xf32>
    %min3A_864 = arith.minimumf %add3A_839, %add3A_855 : vector<16xf32>
    %max3A_865 = arith.maximumf %sub3A_835, %sub3A_851 : vector<16xf32>
    %sub3A_866 = arith.subf %min3A_864, %max3A_865 : vector<16xf32>
    %max3A_867 = arith.constant 0.000000e+00 : f32
    %max3A_868 = vector.broadcast %max3A_867 : f32 to vector<16xf32>
    %max3A_869 = arith.maximumf %sub3A_866, %max3A_868 : vector<16xf32>
    %min3A_870 = arith.minimumf %add3A_847, %add3A_863 : vector<16xf32>
    %max3A_871 = arith.maximumf %sub3A_843, %sub3A_859 : vector<16xf32>
    %sub3A_872 = arith.subf %min3A_870, %max3A_871 : vector<16xf32>
    %max3A_873 = arith.constant 0.000000e+00 : f32
    %max3A_874 = vector.broadcast %max3A_873 : f32 to vector<16xf32>
    %max3A_875 = arith.maximumf %sub3A_872, %max3A_874 : vector<16xf32>
    %mul3A_876 = arith.mulf %max3A_869, %max3A_875 : vector<16xf32>
    %add3A_877 = arith.constant 1.000000e-07 : f32
    %add3A_878 = vector.broadcast %add3A_877 : f32 to vector<16xf32>
    %add3A_879 = arith.addf %mul3A_827, %add3A_878 : vector<16xf32>
    %mul3A_880 = arith.mulf %mul3A_825, %add3A_879 : vector<16xf32>
    %add3A_881 = arith.constant 1.000000e-07 : f32
    %add3A_882 = vector.broadcast %add3A_881 : f32 to vector<16xf32>
    %add3A_883 = arith.addf %mul3A_267, %add3A_882 : vector<16xf32>
    %mul3A_884 = arith.mulf %mul3A_264, %add3A_883 : vector<16xf32>
    %add3A_885 = arith.addf %mul3A_880, %mul3A_884 : vector<16xf32>
    %sub3A_886 = arith.subf %add3A_885, %mul3A_876 : vector<16xf32>
    %add3A_887 = arith.constant 1.000000e-07 : f32
    %add3A_888 = vector.broadcast %add3A_887 : f32 to vector<16xf32>
    %add3A_889 = arith.addf %sub3A_886, %add3A_888 : vector<16xf32>
    %div3A_890 = arith.divf %mul3A_876, %add3A_889 : vector<16xf32>
    %max3A_891 = arith.maximumf %add3A_839, %add3A_855 : vector<16xf32>
    %min3A_892 = arith.minimumf %sub3A_835, %sub3A_851 : vector<16xf32>
    %sub3A_893 = arith.subf %max3A_891, %min3A_892 : vector<16xf32>
    %max3A_894 = arith.maximumf %add3A_847, %add3A_863 : vector<16xf32>
    %min3A_895 = arith.minimumf %sub3A_843, %sub3A_859 : vector<16xf32>
    %sub3A_896 = arith.subf %max3A_894, %min3A_895 : vector<16xf32>
    %mul3A_897 = arith.mulf %sub3A_893, %sub3A_893 : vector<16xf32>
    %mul3A_898 = arith.mulf %sub3A_896, %sub3A_896 : vector<16xf32>
    %add3A_899 = arith.addf %mul3A_897, %mul3A_898 : vector<16xf32>
    %add3A_900 = arith.constant 1.000000e-07 : f32
    %add3A_901 = vector.broadcast %add3A_900 : f32 to vector<16xf32>
    %add3A_902 = arith.addf %add3A_899, %add3A_901 : vector<16xf32>
    %add3A_903 = arith.addf %sub3A_851, %add3A_855 : vector<16xf32>
    %sub3A_904 = arith.subf %add3A_903, %sub3A_835 : vector<16xf32>
    %sub3A_905 = arith.subf %sub3A_904, %add3A_839 : vector<16xf32>
    %add3A_906 = arith.addf %sub3A_859, %add3A_863 : vector<16xf32>
    %sub3A_907 = arith.subf %add3A_906, %sub3A_843 : vector<16xf32>
    %sub3A_908 = arith.subf %sub3A_907, %add3A_847 : vector<16xf32>
    %mul3A_909 = arith.mulf %sub3A_905, %sub3A_905 : vector<16xf32>
    %mul3A_910 = arith.mulf %sub3A_908, %sub3A_908 : vector<16xf32>
    %add3A_911 = arith.addf %mul3A_909, %mul3A_910 : vector<16xf32>
    %mul3A_912 = arith.constant 2.500000e-01 : f32
    %mul3A_913 = vector.broadcast %mul3A_912 : f32 to vector<16xf32>
    %mul3A_914 = arith.mulf %add3A_911, %mul3A_913 : vector<16xf32>
    %div3A_915 = arith.divf %mul3A_914, %add3A_902 : vector<16xf32>
    %sub3A_916 = arith.subf %div3A_890, %div3A_915 : vector<16xf32>
    %sub3A_917 = arith.constant 1.000000e+00 : f32
    %sub3A_918 = vector.broadcast %sub3A_917 : f32 to vector<16xf32>
    %sub3A_919 = arith.subf %sub3A_918, %sub3A_916 : vector<16xf32>
    %mul3A_920 = arith.constant 5.000000e+00 : f32
    %mul3A_921 = vector.broadcast %mul3A_920 : f32 to vector<16xf32>
    %mul3A_922 = arith.mulf %mul3A_921, %sub3A_919 : vector<16xf32>
    %add3A_923 = arith.addf %add3A_788, %mul3A_922 : vector<16xf32>
    %neg3A_924 = arith.constant 0.000000e+00 : f32
    %neg3A_925 = vector.broadcast %neg3A_924 : f32 to vector<16xf32>
    %neg3A_926 = arith.subf %neg3A_925, %get3A_803 : vector<16xf32>
    %exp3A_927 = math.exp %neg3A_926 : vector<16xf32>
    %add3A_928 = arith.constant 1.000000e+00 : f32
    %add3A_929 = vector.broadcast %add3A_928 : f32 to vector<16xf32>
    %add3A_930 = arith.addf %add3A_929, %exp3A_927 : vector<16xf32>
    %div3A_931 = arith.constant 1.000000e+00 : f32
    %div3A_932 = vector.broadcast %div3A_931 : f32 to vector<16xf32>
    %div3A_933 = arith.divf %div3A_932, %add3A_930 : vector<16xf32>
    %neg3A_934 = arith.constant 0.000000e+00 : f32
    %neg3A_935 = vector.broadcast %neg3A_934 : f32 to vector<16xf32>
    %neg3A_936 = arith.subf %neg3A_935, %div3A_933 : vector<16xf32>
    %exp3A_937 = math.exp %neg3A_936 : vector<16xf32>
    %add3A_938 = arith.constant 2.000000e+00 : f32
    %add3A_939 = vector.broadcast %add3A_938 : f32 to vector<16xf32>
    %add3A_940 = arith.addf %exp3A_937, %add3A_939 : vector<16xf32>
    %div3A_941 = arith.divf %exp3A_937, %add3A_940 : vector<16xf32>
    %mul3A_942 = arith.mulf %div3A_941, %div3A_941 : vector<16xf32>
    %mul3A_943 = arith.constant 2.000000e+00 : f32
    %mul3A_944 = vector.broadcast %mul3A_943 : f32 to vector<16xf32>
    %mul3A_945 = arith.mulf %mul3A_944, %div3A_941 : vector<16xf32>
    %mul3A_946 = arith.constant 0.111111112 : f32
    %mul3A_947 = vector.broadcast %mul3A_946 : f32 to vector<16xf32>
    %mul3A_948 = arith.mulf %mul3A_942, %mul3A_947 : vector<16xf32>
    %add3A_949 = arith.constant 0.142857149 : f32
    %add3A_950 = vector.broadcast %add3A_949 : f32 to vector<16xf32>
    %add3A_951 = arith.addf %add3A_950, %mul3A_948 : vector<16xf32>
    %mul3A_952 = arith.mulf %mul3A_942, %add3A_951 : vector<16xf32>
    %add3A_953 = arith.constant 2.000000e-01 : f32
    %add3A_954 = vector.broadcast %add3A_953 : f32 to vector<16xf32>
    %add3A_955 = arith.addf %add3A_954, %mul3A_952 : vector<16xf32>
    %mul3A_956 = arith.mulf %mul3A_942, %add3A_955 : vector<16xf32>
    %add3A_957 = arith.constant 0.333333343 : f32
    %add3A_958 = vector.broadcast %add3A_957 : f32 to vector<16xf32>
    %add3A_959 = arith.addf %add3A_958, %mul3A_956 : vector<16xf32>
    %mul3A_960 = arith.mulf %mul3A_942, %add3A_959 : vector<16xf32>
    %add3A_961 = arith.constant 1.000000e+00 : f32
    %add3A_962 = vector.broadcast %add3A_961 : f32 to vector<16xf32>
    %add3A_963 = arith.addf %add3A_962, %mul3A_960 : vector<16xf32>
    %mul3A_964 = arith.mulf %mul3A_945, %add3A_963 : vector<16xf32>
    %add3A_965 = arith.addf %add3A_923, %mul3A_964 : vector<16xf32>
    %broadcast_in_dim3A_966 = arith.constant 0.000000e+00 : f32
    %broadcast_in_dim3A_967 = vector.broadcast %broadcast_in_dim3A_966 : f32 to vector<16xf32>
    %scan3A_968 = arith.constant 0 : i32
    %scan3A_969 = arith.constant 80 : i32
    %scan3A_970 = arith.addi %scan3A_968, %scan3A_969 : i32
    %scan3A_971 = arith.constant 1 : i32
    %scan3A_972 = scf.for %scan3A_981 = %scan3A_968 to %scan3A_970 step %scan3A_971 iter_args(%scan3A_982 = %broadcast_in_dim3A_967) -> (vector<16xf32>)  : i32 {
      %add3A_983 = arith.constant 5 : i32
      %add3A_984 = arith.addi %add3A_983, %scan3A_981 : i32
      %mul3A_985 = arith.constant 16 : i32
      %mul3A_986 = arith.muli %add3A_984, %mul3A_985 : i32
      %add3A_987 = arith.constant 2720 : i32
      %add3A_988 = arith.addi %add3A_987, %mul3A_986 : i32
      %get3A_989 = arith.index_cast %add3A_988 : i32 to index
      %get3A_990 = tpu.vector_load %arg17[%get3A_989] {strides = array<i32>} : memref<4080xf32, #tpu.memory_space<vmem>>, vector<16xf32>,
      %get3A_991 = vector.shape_cast %get3A_990 : vector<16xf32> to vector<16xf32>
      %neg3A_992 = arith.constant 0.000000e+00 : f32
      %neg3A_993 = vector.broadcast %neg3A_992 : f32 to vector<16xf32>
      %neg3A_994 = arith.subf %neg3A_993, %get3A_991 : vector<16xf32>
      %exp3A_995 = math.exp %neg3A_994 : vector<16xf32>
      %add3A_996 = arith.constant 1.000000e+00 : f32
      %add3A_997 = vector.broadcast %add3A_996 : f32 to vector<16xf32>
      %add3A_998 = arith.addf %add3A_997, %exp3A_995 : vector<16xf32>
      %div3A_999 = arith.constant 1.000000e+00 : f32
      %div3A_1000 = vector.broadcast %div3A_999 : f32 to vector<16xf32>
      %div3A_1001 = arith.divf %div3A_1000, %add3A_998 : vector<16xf32>
      %eq3A = vector.broadcast %scan3A_981 : i32 to vector<16xi32>
      %eq3A_1002 = arith.cmpi eq, %get3A_16, %eq3A : vector<16xi32>
      %jit3A_1003 = arith.constant 1.000000e+00 : f32
      %jit3A_1004 = arith.constant 0.000000e+00 : f32
      %broadcast_in_dim3A_1005 = vector.broadcast %jit3A_1003 : f32 to vector<16xf32>
      %broadcast_in_dim3A_1006 = vector.broadcast %jit3A_1004 : f32 to vector<16xf32>
      %select_n3A_1007 = arith.select %eq3A_1002, %broadcast_in_dim3A_1005, %broadcast_in_dim3A_1006 : vector<16xi1>, vector<16xf32>
      %sub3A_1008 = arith.constant 1.000000e+00 : f32
      %sub3A_1009 = vector.broadcast %sub3A_1008 : f32 to vector<16xf32>
      %sub3A_1010 = arith.subf %sub3A_1009, %select_n3A_1007 : vector<16xf32>
      %mul3A_1011 = arith.mulf %div3A_1001, %sub3A_1010 : vector<16xf32>
      %add3A_1012 = arith.addf %scan3A_982, %mul3A_1011 : vector<16xf32>
      %neg3A_1013 = arith.constant 0.000000e+00 : f32
      %neg3A_1014 = vector.broadcast %neg3A_1013 : f32 to vector<16xf32>
      %neg3A_1015 = arith.subf %neg3A_1014, %div3A_1001 : vector<16xf32>
      %exp3A_1016 = math.exp %neg3A_1015 : vector<16xf32>
      %add3A_1017 = arith.constant 2.000000e+00 : f32
      %add3A_1018 = vector.broadcast %add3A_1017 : f32 to vector<16xf32>
      %add3A_1019 = arith.addf %exp3A_1016, %add3A_1018 : vector<16xf32>
      %div3A_1020 = arith.divf %exp3A_1016, %add3A_1019 : vector<16xf32>
      %mul3A_1021 = arith.mulf %div3A_1020, %div3A_1020 : vector<16xf32>
      %mul3A_1022 = arith.constant 2.000000e+00 : f32
      %mul3A_1023 = vector.broadcast %mul3A_1022 : f32 to vector<16xf32>
      %mul3A_1024 = arith.mulf %mul3A_1023, %div3A_1020 : vector<16xf32>
      %mul3A_1025 = arith.constant 0.111111112 : f32
      %mul3A_1026 = vector.broadcast %mul3A_1025 : f32 to vector<16xf32>
      %mul3A_1027 = arith.mulf %mul3A_1021, %mul3A_1026 : vector<16xf32>
      %add3A_1028 = arith.constant 0.142857149 : f32
      %add3A_1029 = vector.broadcast %add3A_1028 : f32 to vector<16xf32>
      %add3A_1030 = arith.addf %add3A_1029, %mul3A_1027 : vector<16xf32>
      %mul3A_1031 = arith.mulf %mul3A_1021, %add3A_1030 : vector<16xf32>
      %add3A_1032 = arith.constant 2.000000e-01 : f32
      %add3A_1033 = vector.broadcast %add3A_1032 : f32 to vector<16xf32>
      %add3A_1034 = arith.addf %add3A_1033, %mul3A_1031 : vector<16xf32>
      %mul3A_1035 = arith.mulf %mul3A_1021, %add3A_1034 : vector<16xf32>
      %add3A_1036 = arith.constant 0.333333343 : f32
      %add3A_1037 = vector.broadcast %add3A_1036 : f32 to vector<16xf32>
      %add3A_1038 = arith.addf %add3A_1037, %mul3A_1035 : vector<16xf32>
      %mul3A_1039 = arith.mulf %mul3A_1021, %add3A_1038 : vector<16xf32>
      %add3A_1040 = arith.constant 1.000000e+00 : f32
      %add3A_1041 = vector.broadcast %add3A_1040 : f32 to vector<16xf32>
      %add3A_1042 = arith.addf %add3A_1041, %mul3A_1039 : vector<16xf32>
      %mul3A_1043 = arith.mulf %mul3A_1024, %add3A_1042 : vector<16xf32>
      %add3A_1044 = arith.addf %add3A_1012, %mul3A_1043 : vector<16xf32>
      scf.yield %add3A_1044 : vector<16xf32>
    }
    %scan3A_973 = arith.constant 80 : i32
    %mul3A_974 = arith.constant 1.250000e-02 : f32
    %mul3A_975 = vector.broadcast %mul3A_974 : f32 to vector<16xf32>
    %mul3A_976 = arith.mulf %scan3A_972, %mul3A_975 : vector<16xf32>
    %add3A_977 = arith.addf %add3A_965, %mul3A_976 : vector<16xf32>
    %swap3A = arith.constant 0 : index
    %swap3A_978 = tpu.vector_load %arg18[%swap3A] {strides = array<i32>} : memref<16xf32, #tpu.memory_space<vmem>>, vector<16xf32>,
    %swap3A_979 = vector.shape_cast %swap3A_978 : vector<16xf32> to vector<16xf32>
    %swap3A_980 = vector.shape_cast %add3A_977 : vector<16xf32> to vector<16xf32>
    tpu.vector_store %arg18[%swap3A], %swap3A_980 {strides = array<i32>} : memref<16xf32, #tpu.memory_space<vmem>>, vector<16xf32>,
    "tpu.region"() ({
      %run_scoped3A = tpu.sem_alloc : memref<!tpu.dma_semaphore, #tpu.memory_space<semaphore_mem>>
      %dma_start3A_981 = arith.constant 0 : i32
      %dma_start3A_982 = tpu.memref_slice %arg10[%add3A, %dma_start3A_981] : memref<32x16xf32, #tpu.memory_space<hbm>> -> memref<1x16xf32, #tpu.memory_space<hbm>>
      %dma_start3A_983 = tpu.memref_squeeze %dma_start3A_982 : memref<1x16xf32, #tpu.memory_space<hbm>> -> memref<16xf32, #tpu.memory_space<hbm>>
      %dma_start3A_984 = arith.constant 0 : i32
      %dma_start3A_985 = tpu.memref_slice %arg10[%add3A, %dma_start3A_984] : memref<32x16xf32, #tpu.memory_space<hbm>> -> memref<1x16xf32, #tpu.memory_space<hbm>>
      %dma_start3A_986 = tpu.memref_squeeze %dma_start3A_985 : memref<1x16xf32, #tpu.memory_space<hbm>> -> memref<16xf32, #tpu.memory_space<hbm>>
      tpu.enqueue_dma source(%arg18 : memref<16xf32, #tpu.memory_space<vmem>>) target(%dma_start3A_986 : memref<16xf32, #tpu.memory_space<hbm>>) target_semaphore(%run_scoped3A : memref<!tpu.dma_semaphore, #tpu.memory_space<semaphore_mem>>)
      %dma_wait3A_987 = arith.constant 0 : i32
      %dma_wait3A_988 = tpu.memref_slice %arg10[%add3A, %dma_wait3A_987] : memref<32x16xf32, #tpu.memory_space<hbm>> -> memref<1x16xf32, #tpu.memory_space<hbm>>
      %dma_wait3A_989 = tpu.memref_squeeze %dma_wait3A_988 : memref<1x16xf32, #tpu.memory_space<hbm>> -> memref<16xf32, #tpu.memory_space<hbm>>
      %dma_wait3A_990 = arith.constant 0 : i32
      %dma_wait3A_991 = tpu.memref_slice %arg10[%add3A, %dma_wait3A_990] : memref<32x16xf32, #tpu.memory_space<hbm>> -> memref<1x16xf32, #tpu.memory_space<hbm>>
      %dma_wait3A_992 = tpu.memref_squeeze %dma_wait3A_991 : memref<1x16xf32, #tpu.memory_space<hbm>> -> memref<16xf32, #tpu.memory_space<hbm>>
      tpu.wait_dma2 semaphore(%run_scoped3A : memref<!tpu.dma_semaphore, #tpu.memory_space<semaphore_mem>>) src(%arg18 : memref<16xf32, #tpu.memory_space<vmem>>) dst(%dma_wait3A_992 : memref<16xf32, #tpu.memory_space<hbm>>)
      tpu.yield
    }) : () -> ()
    return
  }
}

</mosaic_0001>

<sc_bundles>
// kernel: kernel.3.cloned.1.call-start
scs
__scs_entry_jumppad:
0x0: {  	(pc) =	sbr.rel $0x88, $3  }
0x1: {  	(tag) =	ssettag $0x0;
	lr =	simm.s32 $0x1  }
0x2: {  	[smem:$0x3F9C] =	sst lr;
	_ =	strace $0xD0000000  }
0x3: {  	_ = 	snop  }
0x4: {  	_ = 	snop  }
0x5: {  	_ = 	snop  }
0x6: {  	_ = 	snop  }
0x7: {  	_ = 	snop  }
__scs_overlays_trampoline_lowered:
0x8: {  	[smem:$0x3FAB] =	sst s0  }
0x9: {  	[smem:$0x3FAC] =	sst s1  }
0xa: {  	[smem:$0x3FAD] =	sst s2  }
0xb: {  	[smem:$0x3FAE] =	sst s3  }
0xc: {  	[smem:$0x3FAF] =	sst s4  }
0xd: {  	[smem:$0x3FB0] =	sst s5  }
0xe: {  	[smem:$0x3FB1] =	sst s6  }
0xf: {  	[smem:$0x3FB2] =	sst s7  }
0x10: {  	[smem:$0x3FB3] =	sst s8  }
0x11: {  	[smem:$0x3FB4] =	sst s9;
	s0 =	simm.s32 @!p0 $0x0  }
0x12: {  	s1 =	sld [smem:$0x3F9A];
	s0 =	simm.s32 @p0 $0x1  }
0x13: {  	[smem:$0x3FB5] =	sst s0;
	s0 =	simm.s32 @!p1 $0x0  }
0x14: {  	s2 =	sld [smem:$0x3F99];
	s0 =	simm.s32 @p1 $0x1  }
0x15: {  	[smem:$0x3FB6] =	sst s0;
	s0 =	simm.s32 @!p2 $0x0  }
0x16: {  	s3 =	sld [smem:$0x3FDB];
	s0 =	simm.s32 @p2 $0x1  }
0x17: {  	s4 =	simm.s32 $0x1BF5;
	[smem:$0x3FB8] =	sst s0  }
0x18: {  	s0 =	sld [smem:$0x3F9B];
	_ =	swait.ge [sflag:s4], $0x0  }
0x19: {  	s7 =	sld [smem:$0x3F9C]  }
0x1a: {  	s8 =	sadd.s32 $0xFFFFE003, lr  }
0x1b: {  	s9 =	sadd.s32 $0xFFFFFEF7, lr;
	s5 =	simm.s32 $0xFFFFFFFF;
	p2 =	slt.u32 s8, $0xFFFFF086  }
0x1c: {  	p1 =	slt.u32 s9, $0xF7A;
	s5 =	simm.s32 @!p2 $0x0  }
0x1d: {  	s5 =	simm.s32 @p1 $0x1;
	p0 =	seq.s32 s7, s2  }
0x1e: {  	s7 =	smul.u32 @!p0 $0xF7A, s2;
	p2 =	seq.s32 @!p0 s5, $0x0  }
0x1f: {  	s9 =	smul.u32 $0xF7A, s1;
	s8 =	simm.s32 @!p0 $0x1BF5;
	p2 =	por !p2, p0  }
0x20: {  	[sflag:s8] =	ssyncset.s32 @!p0 $0xFFFFF086;
	s6 =	sadd.s32 @!p0 s3, s7;
	s7 =	simm.s32 @!p0 $0x108  }
0x21: {  	s3 =	sadd.s32 s3, s9;
	s6 =	sadd.s32 @!p0 $0x88, s6;
	s7 =	simm.s32 @p2 $0x1082  }
0x22: {  	[simem:s7], [sflag:s8] =	dma.local @!p0 [hbm:s6], $0xF7A  }
0x23: {  	s9 =	sor.u32 $0xD0000000, s2;
	s6 =	simm.s32 $0x108;
	_ =	swait.ge @!p0 [sflag:s8], $0x0  }
0x24: {  	s3 =	sadd.s32 $0x88, s3;
	s6 =	simm.s32 @!p1 $0x1082;
	[sflag:s4] =	ssyncset.s32 $0xFFFFF086  }
0x25: {  	[simem:s6], [sflag:s4] =	dma.local [hbm:s3], $0xF7A  }
0x26: {  	[smem:$0x3F9C] =	sst s1;
	(tag) =	ssettag s2;
	_ =	strace s9  }
0x27: {  	s1 =	sld [smem:$0x3FAC]  }
0x28: {  	s2 =	sld [smem:$0x3FAD]  }
0x29: {  	s4 =	sld [smem:$0x3FAF]  }
0x2a: {  	p0 =	seq.s32 s5, $0x0;
	s5 =	sld [smem:$0x3FB0]  }
0x2b: {  	s6 =	sld [smem:$0x3FB1]  }
0x2c: {  	s7 =	sld [smem:$0x3FB2]  }
0x2d: {  	s3 =	simm.s32 $0x108;
	s8 =	sld [smem:$0x3FB3]  }
0x2e: {  	s3 =	simm.s32 @!p0 $0x1082;
	s9 =	sld [smem:$0x3FB4]  }
0x2f: {  	lr =	sadd.s32 s0, s3;
	s0 =	sld [smem:$0x3FAB]  }
0x30: {  	s3 =	sld [smem:$0x3FAE]  }
0x31: {  	[smem:$0x3FB7] =	sst s10  }
0x32: {  	s10 =	sld [smem:$0x3FB5];
	_ =	sdelay $0x3  }
0x33: {  	p0 =	seq.s32 s10, $0x1;
	s10 =	sld [smem:$0x3FB7];
	_ =	sdelay $0x3  }
0x34: {  	[smem:$0x3FB7] =	sst s10  }
0x35: {  	s10 =	sld [smem:$0x3FB6];
	_ =	sdelay $0x3  }
0x36: {  	p1 =	seq.s32 s10, $0x1;
	s10 =	sld [smem:$0x3FB7];
	_ =	sdelay $0x3  }
0x37: {  	[smem:$0x3FB7] =	sst s10  }
0x38: {  	s10 =	sld [smem:$0x3FB8]  }
0x39: {  	_ = 	snop;
	(pc) =	sbr.ind lr, $3  }
0x3a: {  	_ = 	snop  }
0x3b: {  	_ = 	snop  }
0x3c: {  	p2 =	seq.s32 s10, $0x1;
	s10 =	sld [smem:$0x3FB7]  }
0x3d: {  	_ =	shalt  }
0x3e: {  	_ =	shalt  }
0x3f: {  	_ =	shalt  }
0x40: {  	_ =	shalt  }
0x41: {  	_ =	shalt  }
0x42: {  	_ =	shalt  }
0x43: {  	_ =	shalt  }
0x44: {  	_ =	shalt  }
0x45: {  	_ =	shalt  }
0x46: {  	_ =	shalt  }
0x47: {  	_ =	shalt  }
0x48: {  	_ =	shalt  }
0x49: {  	_ =	shalt  }
0x4a: {  	_ =	shalt  }
0x4b: {  	_ =	shalt  }
0x4c: {  	_ =	shalt  }
0x4d: {  	_ =	shalt  }
0x4e: {  	_ =	shalt  }
0x4f: {  	_ =	shalt  }
0x50: {  	_ =	shalt  }
0x51: {  	_ =	shalt  }
0x52: {  	_ =	shalt  }
0x53: {  	_ =	shalt  }
0x54: {  	_ =	shalt  }
0x55: {  	_ =	shalt  }
0x56: {  	_ =	shalt  }
0x57: {  	_ =	shalt  }
0x58: {  	_ =	shalt  }
0x59: {  	_ =	shalt  }
0x5a: {  	_ =	shalt  }
0x5b: {  	_ =	shalt  }
0x5c: {  	_ =	shalt  }
0x5d: {  	_ =	shalt  }
0x5e: {  	_ =	shalt  }
0x5f: {  	_ =	shalt  }
0x60: {  	_ =	shalt  }
0x61: {  	_ =	shalt  }
0x62: {  	_ =	shalt  }
0x63: {  	_ =	shalt  }
0x64: {  	_ =	shalt  }
0x65: {  	_ =	shalt  }
0x66: {  	_ =	shalt  }
0x67: {  	_ =	shalt  }
0x68: {  	_ =	shalt  }
0x69: {  	_ =	shalt  }
0x6a: {  	_ =	shalt  }
0x6b: {  	_ =	shalt  }
0x6c: {  	_ =	shalt  }
0x6d: {  	_ =	shalt  }
0x6e: {  	_ =	shalt  }
0x6f: {  	_ =	shalt  }
0x70: {  	_ =	shalt  }
0x71: {  	_ =	shalt  }
0x72: {  	_ =	shalt  }
0x73: {  	_ =	shalt  }
0x74: {  	_ =	shalt  }
0x75: {  	_ =	shalt  }
0x76: {  	_ =	shalt  }
0x77: {  	_ =	shalt  }
0x78: {  	_ =	shalt  }
0x79: {  	_ =	shalt  }
0x7a: {  	_ =	shalt  }
0x7b: {  	_ =	shalt  }
0x7c: {  	_ =	shalt  }
0x7d: {  	_ =	shalt  }
0x7e: {  	_ =	shalt  }
0x7f: {  	_ =	shalt  }
0x80: {  	_ =	shalt  }
0x81: {  	_ =	shalt  }
0x82: {  	_ =	shalt  }
0x83: {  	_ =	shalt  }
0x84: {  	_ =	shalt  }
0x85: {  	_ =	shalt  }
0x86: {  	_ =	shalt  }
0x87: {  	_ =	shalt  }
.Lfunc_end0:
.L_simem_size_0:
called_computation_lowered:
.L_overlay_start_0:
0x88: {  	s2 =	sld [smem:$0x3FD9]  }
0x89: {  	s3 =	sld [smem:$0x3FFE];
	_ =	sdelay $0x1  }
0x8a: {  	s1 =	srdreg.scid  }
0x8b: {  	s0 =	sand.u32 $0x1, s1  }
0x8c: {  	s16 =	sshll.u32 s0, $0xA;
	s2 =	sadd.s32 s3, s2  }
0x8d: {  	s2 =	sadd.s32 s2, s16  }
0x8e: {  	[smem:$0x3FC3] =	sst s2  }
0x8f: {  	_ = 	snop  }
0x90: {  	(tm) =	ssettm $0x1  }
0x91: {  	s17 =	sld [smem:$0x3FFB];
	_ =	sdelay $0x3  }
0x92: {  	_ =	strace s17  }
0x93: {  	s2 =	sld [smem:$0x3FFC];
	_ =	sdelay $0x3  }
0x94: {  	_ =	strace s2  }
0x95: {  	s2 =	sld [smem:$0x3FFD];
	_ =	sdelay $0x3  }
0x96: {  	_ =	strace s2  }
0x97: {  	_ =	strace $0x8FFFFFFF  }
0x98: {  	s18 =	sld [smem:$0x3FDB];
	_ =	sdelay $0x1  }
0x99: {  	s19 =	simm.s32 $_scs_section_size  }
0x9a: {  	s4 =	simm.s32 $_size__tile_overlayer_lowered;
	s5 =	simm.s32 $_tile_overlayer_lowered  }
0x9b: {  	s22 =	simm.s32 $0x1BFF;
	s21 =	sshll.u32 s5, $0x1;
	s2 =	sadd.s32 s19, s18  }
0x9c: {  	s6 =	simm.s32 $0x0;
	s20 =	sshll.u32 s4, $0x1;
	s4 =	sadd.s32 s21, s2  }
0x9d: {  	[timem:s6], [sflag:s22] =	dma.local [hbm:s4], s20  }
0x9e: {  	_ =	swait.ge [sflag:s22], s20  }
0x9f: {  	s3 =	ssub.s32 $0x0, s20;
	[sflag:s22] =	ssyncset.done $0x0  }
0xa0: {  	[sflag:s22] =	ssyncadd.s32 s3;
	_ =	sdelay $0x1  }
0xa1: {  	s23 =	simm.s32 $0x1B8B  }
0xa2: {  	_ =	swait.ge [sflag:s23], $0x1  }
0xa3: {  	[sflag:s23] =	ssyncset.done $0x0  }
0xa4: {  	s25 =	simm.s32 $0x1B8E;
	s24 =	sld [smem:$0x3FFE];
	[sflag:s23] =	ssyncadd.s32 $0xFFFFFFFF  }
0xa5: {  	s26 =	simm.s32 $execute0_lowered;
	[smem:$0x3FD2] =	sst s25  }
0xa6: {  	s4 =	sshll.u32 s26, $0x1;
	_ =	strace $0x80000046;
	[dreg:$0x1] =	wrdreg $0xFFFFFFFF  }
0xa7: {  	s28 =	simm.s32 $_size_execute0_lowered;
	s2 =	sadd.s32 s2, s4;
	[dreg:$0x0] =	wrdreg $0x0  }
0xa8: {  	s4 =	sshll.u32 s28, $0x1;
	[dreg:$0x2] =	wrdreg s2  }
0xa9: {  	[dreg:$0x3] =	wrdreg s4  }
0xaa: {  	[dreg:$0x4] =	wrdreg $0xC0  }
0xab: {  	_ =	task [dreg:s6], $0x5FFFF  }
0xac: {  	[dreg:$0x1] =	wrdreg $0xFFFFFFFF  }
0xad: {  	[dreg:$0x0] =	wrdreg $0x60  }
0xae: {  	[dreg:$0x2] =	wrdreg s24  }
0xaf: {  	[dreg:$0x3] =	wrdreg $0x9  }
0xb0: {  	_ =	task.clear_ibuf [dreg:s6], $0x4FFFF;
	_ =	strace $0x90000046  }
0xb1: {  	s29 =	simm.s32 $0x9;
	_ =	strace $0x80000048  }
0xb2: {  	_ =	swait.ge [sflag:s29], $0x1  }
0xb3: {  	[sflag:s29] =	ssyncadd.s32 $0xFFFFFFFF  }
0xb4: {  	_ =	strace $0x90000048  }
0xb5: {  	_ =	sfence  }
0xb6: {  	s30 =	sld [smem:$0x0];
	_ =	sdelay $0x2  }
0xb7: {  	s31 =	sshll.u32 s1, $0xD;
	s1 =	sshrl.u32 s1, $0x2  }
0xb8: {  	s3 =	sand.u32 $0x4000, s31;
	s1 =	sadd.s32 s1, s30  }
0xb9: {  	s0 =	sor.u32 s3, s0;
	s1 =	sshll.u32 s1, $0x11  }
0xba: {  	s0 =	sor.u32 s1, s0  }
0xbb: {  	s0 =	sadd.s32 $0x8F2B, s0  }
0xbc: {  	[sflag:s0] =	ssyncadd.remote.s32 $0x1  }
0xbd: {  	_ =	sfence.sel $0xFFFF  }
0xbe: {  	[dreg:$0x0] =	wrdreg $0xFFFFFFFF;
	(pc) =	sbr.abs _section_cstart, $3  }
0xbf: {  	[dreg:$0x1] =	wrdreg $0xFFFFFFFF  }
0xc0: {  	_ =	task.clear_ibuf [dreg:s6], $0x2FFFF;
	_ =	strace $0x9FFFFFFF  }
0xc1: {  	(tm) =	ssettm $0x7FFFFFFF  }
tec
execute0_lowered:
.L_overlay_start_1:
0x0: {  	(tag) =	ssettag $0x1  }
0x1: {  	s1 =	simm.s32 $0x0  }
0x2: {  	s2 =	srdreg.scid;
	[smem:$0x7FF] =	sst s1  }
0x3: {  	s0 =	rddreg [dreg:$0x0];
	v0 =	vimm.f32 $1.250000000e+00;
	s2 =	sand.u32 $0x1, s2;
	_ =	strace $0x80000047  }
0x4: {  	v32 =	vimm.f32 $1.625000000e+00;
	s8 =	stileid.u32;
	s6 =	sshll.u32 s2, $0x4;
	(erf) = vrcp.f32 v0  }
0x5: {  	v33 =	vimm.f32 $2.000000000e+00;
	s6 =	sor.u32 s8, s6;
	(erf) = vrcp.f32 v32  }
0x6: {  	v34 =	vimm.f32 $3.750000000e+00;
	s13 =	sshll.u32 s6, $0x4;
	(erf) = vrcp.f32 v33  }
0x7: {  	v35 =	vimm.f32 $4.125000000e+00;
	v59 =	vmov s13;
	(erf) = vrcp.f32 v34  }
0x8: {  	v36 =	vimm.f32 $2.875000000e+00;
	v0 =	vshrl.u32 v59, $0x5;
	(erf) = vrcp.f32 v35  }
0x9: {  	v37 =	vimm.f32 $1.875000000e+00;
	v0 =	vmul.u32 $0xFF, v0;
	(erf) = vrcp.f32 v36  }
0xa: {  	v38 =	vimm.f32 $3.812500000e+00;
	(erf) = vrcp.f32 v37  }
0xb: {  	v39 =	vimm.f32 $3.875000000e+00;
	v14 =	vbroadcast v0, $0x0;
	(erf) = vrcp.f32 v38  }
0xc: {  	v40 =	vimm.f32 $2.812500000e+00;
	(erf) = vrcp.f32 v39  }
0xd: {  	v41 =	vimm.f32 $3.687500000e+00;
	[tilespmem:$0x1FFF0] =	vst v14;
	v1 =	vpop (erf);
	(erf) = vrcp.f32 v40  }
0xe: {  	v43 =	vimm.f32 $7.437500000e+00;
	[tilespmem:$0x1FEE0] =	vst v1;
	v42 =	vpop (erf);
	(erf) = vrcp.f32 v41  }
0xf: {  	v45 =	vimm.f32 $3.625000000e+00;
	[tilespmem:$0x1FEF0] =	vst v42;
	v44 =	vpop (erf);
	(erf) = vrcp.f32 v43  }
0x10: {  	v47 =	vimm.f32 $4.875000000e+00;
	[tilespmem:$0x1FF00] =	vst v44;
	v46 =	vpop (erf);
	(erf) = vrcp.f32 v45  }
0x11: {  	v49 =	vimm.f32 $6.187500000e+00;
	[tilespmem:$0x1FF10] =	vst v46;
	v48 =	vpop (erf);
	(erf) = vrcp.f32 v47  }
0x12: {  	v51 =	vimm.f32 $1.165625000e+01;
	[tilespmem:$0x1FF20] =	vst v48;
	v50 =	vpop (erf);
	(erf) = vrcp.f32 v49  }
0x13: {  	v53 =	vimm.f32 $1.018750000e+01;
	[tilespmem:$0x1FF30] =	vst v50;
	v52 =	vpop (erf);
	(erf) = vrcp.f32 v51  }
0x14: {  	[tilespmem:$0x1FF40] =	vst v52;
	v54 =	vpop (erf);
	(erf) = vrcp.f32 v53  }
0x15: {  	s18 =	simm.s32 $0x550;
	s19 =	simm.s32 $0x280;
	s21 =	simm.s32 $0x1;
	[tilespmem:$0x1FF50] =	vst v54;
	v55 =	vpop (erf)  }
0x16: {  	s22 =	simm.s32 $0x7D0;
	s23 =	simm.s32 $0x17D0;
	s24 =	simm.s32 $0xD20;
	[tilespmem:$0x1FF60] =	vst v55;
	v13 =	vpop (erf)  }
0x17: {  	s25 =	simm.s32 $0x1D20;
	s26 =	simm.s32 $0x2280;
	s28 =	simm.s32 $0x0;
	v56 =	vpop (erf);
	[tilespmem:$0x1FFE0] =	vst v13  }
0x18: {  	s3 =	sadd.s32 $0x3FD600, s0;
	s4 =	sadd.s32 $0x1FF600, s0;
	s2 =	ssub.s32 $0x2, s2;
	[tilespmem:$0x1FF70] =	vst v56;
	v57 =	vpop (erf)  }
0x19: {  	s5 =	sadd.s32 $0x27EE00, s0;
	s8 =	sshll.u32 s8, $0x4;
	s31 =	sshrl.u32 s2, $0x1;
	[tilespmem:$0x1FF80] =	vst v57;
	v58 =	vpop (erf)  }
0x1a: {  	s7 =	sshll.u32 s6, $0x1;
	s30 =	sand.u32 $0x70, s8;
	s2 =	ssub.s32 s2, s31;
	[tilespmem:$0x1FF90] =	vst v58;
	v60 =	vpop (erf)  }
0x1b: {  	s10 =	sadd.s32 s7, s0;
	s0 =	sadd.s32 s30, s0;
	s11 =	sand.u32 $0x180, s13;
	[tilespmem:$0x1FFA0] =	vst v60;
	v61 =	vpop (erf)  }
0x1c: {  	s12 =	smax.u32 s2, $0x1;
	s6 =	sadd.s32 $0x29F200, s10;
	s7 =	sadd.s32 $0x29F000, s10;
	[tilespmem:$0x1FFB0] =	vst v61;
	v62 =	vpop (erf)  }
0x1d: {  	s8 =	sadd.s32 $0x29EE00, s10;
	s9 =	sadd.s32 $0x29EC00, s10;
	s0 =	sadd.s32 s11, s0;
	[tilespmem:$0x1FFC0] =	vst v62;
	v63 =	vpop (erf)  }
0x1e: {  	v15 =	vimm.s32 $0x0;
	v25 =	vimm.f32 $1.000000000e+00;
	s13 =	simm.s32 $0x2;
	s10 =	sadd.s32 $0x29F400, s10;
	s11 =	sadd.s32 $0x29F600, s0;
	[tilespmem:$0x1FFD0] =	vst v63  }
.LBB2_1:
0x1f: {  	[tilespmem:s1], [sflag:$0x2] =	stream.linear.gather [hbm4b:s6+s1], $0x10, $0x38;
	[tilespmem:$0x2300] =	vst v63  }
0x20: {  	_ =	swait.ge [sflag:s13], $0x10  }
0x21: {  	[sflag:s13] =	ssyncset.done $0x0  }
0x22: {  	s0 =	simm.s32 $0x80;
	[sflag:s13] =	ssyncadd.s32 $0xFFFFFFF0  }
0x23: {  	[tilespmem:s0], [sflag:$0x2] =	stream.linear.gather [hbm4b:s7+s1], $0x10, $0x38;
	[tilespmem:$0x2300] =	vst v63  }
0x24: {  	_ =	swait.ge [sflag:s13], $0x10  }
0x25: {  	[sflag:s13] =	ssyncset.done $0x0  }
0x26: {  	s29 =	simm.s32 $0x100;
	[sflag:s13] =	ssyncadd.s32 $0xFFFFFFF0  }
0x27: {  	[tilespmem:s29], [sflag:$0x2] =	stream.linear.gather [hbm4b:s8+s1], $0x10, $0x38;
	[tilespmem:$0x2300] =	vst v63  }
0x28: {  	_ =	swait.ge [sflag:s13], $0x10  }
0x29: {  	[sflag:s13] =	ssyncset.done $0x0  }
0x2a: {  	s30 =	simm.s32 $0x180;
	[sflag:s13] =	ssyncadd.s32 $0xFFFFFFF0  }
0x2b: {  	[tilespmem:s30], [sflag:$0x2] =	stream.linear.gather [hbm4b:s9+s1], $0x10, $0x38;
	[tilespmem:$0x2300] =	vst v63  }
0x2c: {  	_ =	swait.ge [sflag:s13], $0x10  }
0x2d: {  	[sflag:s13] =	ssyncset.done $0x0  }
0x2e: {  	s31 =	simm.s32 $0x200;
	[sflag:s13] =	ssyncadd.s32 $0xFFFFFFF0  }
0x2f: {  	[tilespmem:s31], [sflag:$0x2] =	stream.linear.gather [hbm4b:s10+s1], $0x10, $0x38;
	[tilespmem:$0x2300] =	vst v63  }
0x30: {  	_ =	swait.ge [sflag:s13], $0x10  }
0x31: {  	[sflag:s13] =	ssyncset.done $0x0  }
0x32: {  	[sflag:s13] =	ssyncadd.s32 $0xFFFFFFF0  }
0x33: {  	v1 =	vld [tilespmem:$0x100]  }
0x34: {  	v2 =	vld [tilespmem:$0x180];
	_ =	sdelay $0x3  }
0x35: {  	v33 =	vmul.f32 $6.400000000e+01, v1  }
0x36: {  	v36 =	vmul.f32 $6.400000000e+01, v2  }
0x37: {  	(erf) = vrcp.f32 v33  }
0x38: {  	(erf) = vrcp.f32 v36;
	_ =	sdelay $0x2  }
0x39: {  	v5 =	vld [tilespmem:$0x1FEE0]  }
0x3a: {  	v8 =	vld [tilespmem:$0x1FEF0];
	_ =	sdelay $0x3  }
0x3b: {  	v4 =	vpop (erf)  }
0x3c: {  	v3 =	vld [tilespmem:$0x80];
	v5 =	vmul.f32 v33, v5;
	v8 =	vmul.f32 v36, v8;
	v7 =	vpop (erf)  }
0x3d: {  	v6 =	vmul.f32 $1.250000000e+00, v4;
	v9 =	vmul.f32 $1.625000000e+00, v7  }
0x3e: {  	v0 =	vld [tilespmem:$0x0]  }
0x3f: {  	v59 =	vld [tilespmem:$0x1FF00];
	v5 =	vmax.f32 v5, v6;
	v6 =	vmax.f32 v8, v9  }
0x40: {  	v5 =	vmax.f32 v5, v6;
	v6 =	vld [tilespmem:$0x1FF10]  }
0x41: {  	v61 =	vld [tilespmem:$0x1FF20];
	v39 =	vmul.f32 $6.400000000e+01, v3  }
0x42: {  	v62 =	vld [tilespmem:$0x1FF30]  }
0x43: {  	v40 =	vmul.f32 $6.400000000e+01, v0;
	v10 =	vtrunc.f32 v39  }
0x44: {  	v60 =	vadd.f32 v4, v4;
	v4 =	vmul.f32 $4.125000000e+00, v4;
	v11 =	vmul.f32 $3.750000000e+00, v7  }
0x45: {  	v8 =	vmul.f32 v33, v59;
	v6 =	vmul.f32 v36, v6  }
0x46: {  	v7 =	vmul.f32 $2.875000000e+00, v7;
	v9 =	vmul.f32 v33, v61  }
0x47: {  	v8 =	vmax.f32 v8, v60;
	v6 =	vmax.f32 v6, v11;
	v11 =	vmul.f32 v36, v62  }
0x48: {  	v12 =	vtrunc.f32 v40;
	v10 =	vcvt.f32.s32 v10;
	v6 =	vmax.f32 v8, v6  }
0x49: {  	v4 =	vmax.f32 v9, v4;
	vm4 =	vlt.f32 v6, v5;
	v7 =	vmax.f32 v11, v7  }
0x4a: {  	v63 =	vcvt.f32.s32 v12;
	v5 =	vsel vm4, v6, v5;
	v4 =	vmax.f32 v4, v7  }
0x4b: {  	vm0 =	vgt.s32 v10, $0x0;
	vm5 =	vlt.f32 v4, v5;
	v4 =	vsel vm4, $0x55, v15  }
0x4c: {  	v5 =	vnsel vm0, $0x0, v10;
	v4 =	vsel vm5, $0xAA, v4  }
0x4d: {  	vm15 =	vgt.s32 v63, $0x0;
	v43 =	vmin.u32 v5, $0x3F;
	v4 =	vadd.s32 v14, v4  }
0x4e: {  	v26 =	vld [tilespmem:$0x200];
	v5 =	vnsel vm15, $0x0, v63;
	v6 =	vshll.u32 v43, $0x6;
	v4 =	vshll.u32 v4, $0xC  }
0x4f: {  	v44 =	vmin.u32 v5, $0x3F;
	v4 =	vor.u32 v4, v6  }
0x50: {  	v4 =	vor.u32 v44, v4  }
0x51: {  	v5 =	vadd.s32 s1, v4  }
0x52: {  	s2 =	simm.s32 $0x280;
	s0 =	simm.s32 $0x1000;
	[tilespmem:s19+$0x0] =	vst v5  }
.LBB2_2:
0x53: {  	p0 =	sne.s32 s0, $0x54000  }
.Ltmp0:
0x54: {  	_ = 	snop;
	(pc) =	sbr.rel @p0 .LBB2_2-.Ltmp0, $3  }
0x55: {  	_ =	sdelay $0x1  }
0x56: {  	v5 =	vadd.s32 s0, v4;
	s0 =	sadd.s32 $0x1000, s0;
	s2 =	sadd.s32 $0x10, s2  }
0x57: {  	[tilespmem:s2+$0x0] =	vst v5  }
0x58: {  	v28 =	vmul.f32 $3.200000000e+01, v1  }
0x59: {  	v32 =	vmul.f32 $3.200000000e+01, v2  }
0x5a: {  	(erf) = vrcp.f32 v28  }
0x5b: {  	(erf) = vrcp.f32 v32;
	_ =	sdelay $0x2  }
0x5c: {  	v5 =	vld [tilespmem:$0x1FF40]  }
0x5d: {  	v8 =	vld [tilespmem:$0x1FF50];
	_ =	sdelay $0x1  }
0x5e: {  	v31 =	vmul.f32 $3.200000000e+01, v3;
	_ =	sdelay $0x1  }
0x5f: {  	v12 =	vmul.f32 $3.200000000e+01, v0;
	v59 =	vld [tilespmem:$0x1FF60];
	v10 =	vtrunc.f32 v31;
	v4 =	vpop (erf)  }
0x60: {  	v61 =	vld [tilespmem:$0x1FF70];
	v5 =	vmul.f32 v28, v5;
	v8 =	vmul.f32 v32, v8;
	v7 =	vpop (erf)  }
0x61: {  	v62 =	vld [tilespmem:$0x1FF80];
	v6 =	vmul.f32 $1.875000000e+00, v4;
	v9 =	vmul.f32 $3.812500000e+00, v7  }
0x62: {  	v60 =	vmul.f32 $3.875000000e+00, v4;
	v4 =	vmul.f32 $3.687500000e+00, v4  }
0x63: {  	v11 =	vmul.f32 $2.812500000e+00, v7;
	v5 =	vmax.f32 v5, v6;
	v6 =	vmax.f32 v8, v9  }
0x64: {  	v8 =	vmul.f32 v28, v59;
	v5 =	vmax.f32 v5, v6;
	v6 =	vmul.f32 v32, v13  }
0x65: {  	v7 =	vmul.f32 $7.437500000e+00, v7;
	v9 =	vmul.f32 v28, v61  }
0x66: {  	v8 =	vmax.f32 v8, v60;
	v6 =	vmax.f32 v6, v11;
	v11 =	vmul.f32 v32, v62  }
0x67: {  	v63 =	vtrunc.f32 v12;
	v10 =	vcvt.f32.s32 v10;
	v6 =	vmax.f32 v8, v6  }
0x68: {  	v4 =	vmax.f32 v9, v4;
	vm2 =	vlt.f32 v6, v5;
	v7 =	vmax.f32 v11, v7  }
0x69: {  	vm0 =	vgt.s32 v10, $0x0;
	v5 =	vsel vm2, v6, v5;
	v4 =	vmax.f32 v4, v7  }
0x6a: {  	v8 =	vcvt.f32.s32 v63;
	vm3 =	vlt.f32 v4, v5;
	v4 =	vsel vm2, $0x55, v15  }
0x6b: {  	v5 =	vnsel vm0, $0x0, v10;
	v4 =	vsel vm3, $0xAA, v4  }
0x6c: {  	vm0 =	vgt.s32 v8, $0x0;
	v41 =	vmin.u32 v5, $0x1F;
	v4 =	vadd.s32 v14, v4  }
0x6d: {  	v5 =	vnsel vm0, $0x0, v8;
	v6 =	vshll.u32 v41, $0x5;
	v4 =	vshll.u32 v4, $0xA  }
0x6e: {  	v42 =	vmin.u32 v5, $0x1F;
	v4 =	vor.u32 v4, v6  }
0x6f: {  	s2 =	simm.s32 $0x0;
	v4 =	vor.u32 v42, v4  }
0x70: {  	s0 =	simm.s32 $0x7D0;
	[tilespmem:$0x1FED0] =	vst v12;
	v5 =	vadd.s32 s2, v4  }
0x71: {  	s2 =	simm.s32 $0x400;
	[tilespmem:s0+$0x0] =	vst v5  }
.LBB2_4:
0x72: {  	p0 =	sne.s32 s2, $0x15000  }
.Ltmp1:
0x73: {  	_ = 	snop;
	(pc) =	sbr.rel @p0 .LBB2_4-.Ltmp1, $3  }
0x74: {  	_ =	sdelay $0x1  }
0x75: {  	v5 =	vadd.s32 s2, v4;
	s2 =	sadd.s32 $0x400, s2;
	s0 =	sadd.s32 $0x10, s0  }
0x76: {  	[tilespmem:s0+$0x0] =	vst v5  }
0x77: {  	v8 =	vmul.f32 $1.600000000e+01, v1  }
0x78: {  	v9 =	vmul.f32 $1.600000000e+01, v2  }
0x79: {  	(erf) = vrcp.f32 v8  }
0x7a: {  	(erf) = vrcp.f32 v9;
	_ =	sdelay $0x3  }
0x7b: {  	v2 =	vld [tilespmem:$0x1FF90];
	_ =	sdelay $0x3  }
0x7c: {  	v7 =	vmul.f32 $1.600000000e+01, v3;
	v1 =	vpop (erf)  }
0x7d: {  	v5 =	vmul.f32 v9, v13;
	v2 =	vmul.f32 v8, v2;
	v4 =	vpop (erf)  }
0x7e: {  	v3 =	vmul.f32 $3.625000000e+00, v1;
	v6 =	vmul.f32 $2.812500000e+00, v4  }
0x7f: {  	v62 =	vld [tilespmem:$0x1FFD0]  }
0x80: {  	v58 =	vld [tilespmem:$0x1FFA0];
	v2 =	vmax.f32 v2, v3;
	v3 =	vmax.f32 v5, v6  }
0x81: {  	v2 =	vmax.f32 v2, v3;
	v3 =	vld [tilespmem:$0x1FFB0];
	_ =	sdelay $0x1  }
0x82: {  	v10 =	vmul.f32 $1.600000000e+01, v0;
	v61 =	vld [tilespmem:$0x1FFC0]  }
0x83: {  	[tilespmem:$0x1FE70] =	vst v7;
	v0 =	vtrunc.f32 v7;
	v7 =	vmul.f32 v9, v62  }
0x84: {  	v59 =	vmul.f32 $4.875000000e+00, v1;
	v60 =	vmul.f32 $6.187500000e+00, v4  }
0x85: {  	v5 =	vmul.f32 v8, v58;
	v3 =	vmul.f32 v9, v3  }
0x86: {  	v1 =	vmul.f32 $1.165625000e+01, v1;
	v4 =	vmul.f32 $1.018750000e+01, v4  }
0x87: {  	v6 =	vmul.f32 v8, v61;
	v5 =	vmax.f32 v5, v59;
	v3 =	vmax.f32 v3, v60  }
0x88: {  	v63 =	vtrunc.f32 v10;
	v0 =	vcvt.f32.s32 v0;
	v3 =	vmax.f32 v5, v3  }
0x89: {  	v4 =	vmax.f32 v7, v4;
	v1 =	vmax.f32 v6, v1;
	vm0 =	vlt.f32 v3, v2  }
0x8a: {  	vm6 =	vgt.s32 v0, $0x0;
	v1 =	vmax.f32 v1, v4;
	v2 =	vsel vm0, v3, v2  }
0x8b: {  	v5 =	vcvt.f32.s32 v63;
	vm1 =	vlt.f32 v1, v2;
	v1 =	vsel vm0, $0x55, v15  }
0x8c: {  	v0 =	vnsel vm6, $0x0, v0;
	v1 =	vsel vm1, $0xAA, v1  }
0x8d: {  	[tilespmem:$0x1FE80] =	vst v8;
	vm6 =	vgt.s32 v5, $0x0;
	v2 =	vmin.u32 v0, $0xF;
	v0 =	vadd.s32 v14, v1  }
0x8e: {  	[tilespmem:$0x1FEB0] =	vst v2;
	v2 =	vshll.u32 v2, $0x4;
	v1 =	vnsel vm6, $0x0, v5;
	v0 =	vshll.u32 v0, $0x8  }
0x8f: {  	[tilespmem:$0x1FE90] =	vst v9;
	v1 =	vmin.u32 v1, $0xF;
	v0 =	vor.u32 v0, v2  }
0x90: {  	s2 =	simm.s32 $0x0;
	[tilespmem:$0x1FEA0] =	vst v10;
	v0 =	vor.u32 v1, v0  }
0x91: {  	s0 =	simm.s32 $0xD20;
	[tilespmem:$0x1FEC0] =	vst v1;
	v1 =	vadd.s32 s2, v0  }
0x92: {  	s2 =	simm.s32 $0x100;
	[tilespmem:s0+$0x0] =	vst v1  }
.LBB2_6:
0x93: {  	p0 =	sne.s32 s2, $0x5400  }
.Ltmp2:
0x94: {  	_ = 	snop;
	(pc) =	sbr.rel @p0 .LBB2_6-.Ltmp2, $3  }
0x95: {  	_ =	sdelay $0x1  }
0x96: {  	v1 =	vadd.s32 s2, v0;
	s2 =	sadd.s32 $0x100, s2;
	s0 =	sadd.s32 $0x10, s0  }
0x97: {  	[tilespmem:s0+$0x0] =	vst v1  }
0x98: {  	s0 =	simm.s32 $0x1280  }
0x99: {  	[tilespmem:s0], [sflag:$0x1] =	stream.indirect.gather [hbm4b:s3+s18], $0x1, s19, s18, $0xb8;
	[tilespmem:$0x2300] =	vst v63  }
0x9a: {  	_ =	swait.ge [sflag:s21], $0x550  }
0x9b: {  	[sflag:s21] =	ssyncset.done $0x0  }
0x9c: {  	[sflag:s21] =	ssyncadd.s32 $0xFFFFFAB0  }
0x9d: {  	[tilespmem:s23], [sflag:$0x1] =	stream.indirect.gather [hbm4b:s4+s18], $0x1, s22, s18, $0xb8;
	[tilespmem:$0x2300] =	vst v63  }
0x9e: {  	_ =	swait.ge [sflag:s21], $0x550  }
0x9f: {  	[sflag:s21] =	ssyncset.done $0x0  }
0xa0: {  	[sflag:s21] =	ssyncadd.s32 $0xFFFFFAB0  }
0xa1: {  	[tilespmem:s25], [sflag:$0x1] =	stream.indirect.gather [hbm4b:s5+s18], $0x1, s24, s18, $0xb8;
	[tilespmem:$0x2300] =	vst v63  }
0xa2: {  	_ =	swait.ge [sflag:s21], $0x550  }
0xa3: {  	[sflag:s21] =	ssyncset.done $0x0  }
0xa4: {  	s15 =	simm.s32 $0x12D0;
	[sflag:s21] =	ssyncadd.s32 $0xFFFFFAB0  }
0xa5: {  	v0 =	vld [tilespmem:s15+$0x0];
	_ =	sdelay $0x4  }
0xa6: {  	v0 =	vsub.f32 $0.0e+00, v0  }
0xa7: {  	s16 =	simm.s32 $0x12E0  }
0xa8: {  	v1 =	vld [tilespmem:s16+$0x0];
	v0 =	vmul.f32 $1.442695020e+00, v0;
	_ =	sdelay $0x1  }
0xa9: {  	(erf) = vpow2.f32 v0;
	_ =	sdelay $0x2  }
0xaa: {  	v0 =	vsub.f32 $0.0e+00, v1;
	_ =	sdelay $0x1  }
0xab: {  	v0 =	vmul.f32 $1.442695020e+00, v0;
	_ =	sdelay $0x3  }
0xac: {  	s17 =	simm.s32 $0x12F0;
	(erf) = vpow2.f32 v0;
	v0 =	vpop (erf)  }
0xad: {  	v1 =	vld [tilespmem:s17+$0x0];
	v0 =	vadd.f32 $1.000000000e+00, v0;
	_ =	sdelay $0x1  }
0xae: {  	(erf) = vrcp.f32 v0;
	_ =	sdelay $0x2  }
0xaf: {  	s20 =	simm.s32 $0x1300;
	v0 =	vsub.f32 $0.0e+00, v1  }
0xb0: {  	v1 =	vld [tilespmem:s20+$0x0]  }
0xb1: {  	v0 =	vmul.f32 $1.442695020e+00, v0  }
0xb2: {  	v2 =	vpop (erf)  }
0xb3: {  	(erf) = vpow2.f32 v0;
	v0 =	vadd.f32 $1.000000000e+00, v2;
	_ =	sdelay $0x1  }
0xb4: {  	v1 =	vsub.f32 $0.0e+00, v1;
	(erf) = vrcp.f32 v0;
	v4 =	vpop (erf)  }
0xb5: {  	s2 =	simm.s32 $0x1310;
	v0 =	vsub.f32 $0.0e+00, v4  }
0xb6: {  	v2 =	vld [tilespmem:s2+$0x0];
	v1 =	vmul.f32 $1.442695020e+00, v1  }
0xb7: {  	v0 =	vmul.f32 $1.442695020e+00, v0  }
0xb8: {  	(erf) = vpow2.f32 v1;
	_ =	sdelay $0x1  }
0xb9: {  	(erf) = vpow2.f32 v0  }
0xba: {  	v1 =	vsub.f32 $0.0e+00, v2;
	v0 =	vpop (erf)  }
0xbb: {  	v0 =	vadd.f32 $1.000000000e+00, v0  }
0xbc: {  	v1 =	vmul.f32 $1.442695020e+00, v1;
	v7 =	vpop (erf)  }
0xbd: {  	s14 =	simm.s32 $0x1320;
	(erf) = vrcp.f32 v0;
	v0 =	vsub.f32 $0.0e+00, v7  }
0xbe: {  	v2 =	vld [tilespmem:s14+$0x0]  }
0xbf: {  	v0 =	vmul.f32 $1.442695020e+00, v0  }
0xc0: {  	(erf) = vpow2.f32 v1;
	v1 =	vpop (erf)  }
0xc1: {  	v1 =	vadd.f32 $1.000000000e+00, v1;
	(erf) = vpow2.f32 v0  }
0xc2: {  	v3 =	vpop (erf)  }
0xc3: {  	v0 =	vadd.f32 $2.000000000e+00, v3;
	(erf) = vrcp.f32 v1;
	v1 =	vsub.f32 $0.0e+00, v2;
	_ =	sdelay $0x1  }
0xc4: {  	(erf) = vrcp.f32 v0;
	v0 =	vmul.f32 $1.442695020e+00, v1  }
0xc5: {  	v2 =	vpop (erf)  }
0xc6: {  	v1 =	vsub.f32 $0.0e+00, v2  }
0xc7: {  	s15 =	simm.s32 $0x1330  }
0xc8: {  	v5 =	vld [tilespmem:s15+$0x0];
	(erf) = vpow2.f32 v0;
	v0 =	vpop (erf);
	v1 =	vmul.f32 $1.442695020e+00, v1  }
0xc9: {  	v0 =	vadd.f32 $1.000000000e+00, v0;
	v6 =	vpop (erf)  }
0xca: {  	(erf) = vpow2.f32 v1;
	v1 =	vadd.f32 $2.000000000e+00, v6;
	_ =	sdelay $0x2  }
0xcb: {  	v5 =	vsub.f32 $0.0e+00, v5;
	(erf) = vrcp.f32 v0;
	v0 =	vpop (erf)  }
0xcc: {  	(erf) = vrcp.f32 v1;
	v1 =	vpop (erf)  }
0xcd: {  	v10 =	vmul.f32 v1, v3;
	v1 =	vmul.f32 $1.442695020e+00, v5;
	_ =	sdelay $0x1  }
0xce: {  	s16 =	simm.s32 $0x1340  }
0xcf: {  	v3 =	vsub.f32 $0.0e+00, v0;
	v5 =	vld [tilespmem:s16+$0x0];
	v11 =	vmul.f32 v10, v10  }
0xd0: {  	(erf) = vpow2.f32 v1;
	v1 =	vpop (erf)  }
0xd1: {  	v3 =	vmul.f32 $1.442695020e+00, v3;
	v8 =	vmul.f32 $1.111111120e-01, v11;
	v1 =	vadd.f32 $1.000000000e+00, v1;
	_ =	sdelay $0x1  }
0xd2: {  	(erf) = vpow2.f32 v3;
	v12 =	vpop (erf);
	v3 =	vadd.f32 $1.428571490e-01, v8  }
0xd3: {  	s17 =	simm.s32 $0x1350;
	v5 =	vsub.f32 $0.0e+00, v5;
	v14 =	vadd.f32 $2.000000000e+00, v12;
	(erf) = vrcp.f32 v1  }
0xd4: {  	v8 =	vld [tilespmem:s17+$0x0];
	v3 =	vmul.f32 v3, v11;
	v1 =	vpop (erf)  }
0xd5: {  	v5 =	vmul.f32 $1.442695020e+00, v5;
	(erf) = vrcp.f32 v14;
	v9 =	vpop (erf)  }
0xd6: {  	v3 =	vadd.f32 $2.000000030e-01, v3;
	v9 =	vmul.f32 v9, v6  }
0xd7: {  	(erf) = vpow2.f32 v5;
	v6 =	vsub.f32 $0.0e+00, v1  }
0xd8: {  	v13 =	vimm.f32 $0.0e+00;
	v50 =	vld [tilespmem:$0x1280];
	s20 =	simm.s32 $0x0;
	v3 =	vmul.f32 v3, v11;
	v14 =	vmul.f32 v9, v9  }
0xd9: {  	s31 =	simm.s32 $0x1;
	v48 =	vld [tilespmem:$0x1290];
	vm6 =	veq.s32 v26, s20;
	v16 =	vpop (erf);
	v8 =	vsub.f32 $0.0e+00, v8;
	v6 =	vmul.f32 $1.442695020e+00, v6  }
0xda: {  	s30 =	simm.s32 $0x2;
	s29 =	simm.s32 $0x3;
	s0 =	simm.s32 $0x8;
	v47 =	vld [tilespmem:$0x12A0];
	v15 =	vsel vm6, $0x0, v25;
	v18 =	vadd.f32 $1.000000000e+00, v16;
	v19 =	vmul.f32 $1.111111120e-01, v14  }
0xdb: {  	v49 =	vld [tilespmem:$0x12B0];
	s15 =	simm.s32 $0x5;
	s20 =	simm.s32 $0x9;
	s2 =	simm.s32 $0x7;
	v5 =	vmul.f32 $1.442695020e+00, v8;
	v16 =	vpop (erf);
	v17 =	vadd.f32 $3.333333430e-01, v3;
	(erf) = vpow2.f32 v6  }
0xdc: {  	v27 =	vld [tilespmem:$0x12C0];
	s14 =	simm.s32 $0x6;
	s16 =	simm.s32 $0x4;
	s17 =	simm.s32 $0x1360;
	v6 =	vadd.f32 $2.000000000e+00, v16;
	(erf) = vrcp.f32 v18;
	v3 =	vpop (erf);
	v18 =	vadd.f32 $1.428571490e-01, v19  }
.LBB2_8:
0xdd: {  	v8 =	vld [tilespmem:s17+$0x0];
	p0 =	sne.s32 s20, $0x4F;
	vm6 =	veq.s32 v26, s31;
	v19 =	vmul.f32 v4, v15;
	v17 =	vmul.f32 v17, v11;
	v11 =	vmovc v14;
	v4 =	vmovc v7;
	s31 =	smov.u32 s30;
	s30 =	smov.u32 s29  }
0xde: {  	s29 =	smov.u32 s16;
	s16 =	smov.u32 s15;
	s15 =	smov.u32 s14;
	(erf) = vrcp.f32 v6;
	v6 =	vpop (erf);
	v15 =	vsel vm6, $0x0, v25;
	v20 =	vmul.f32 v18, v11  }
0xdf: {  	s14 =	smov.u32 s2;
	s2 =	smov.u32 s0;
	s0 =	smov.u32 s20;
	v18 =	vadd.f32 v10, v10;
	v10 =	vmovc v9;
	v17 =	vadd.f32 $1.000000000e+00, v17;
	v9 =	vmul.f32 v6, v12;
	v12 =	vmovc v16  }
0xe0: {  	v6 =	vsub.f32 $0.0e+00, v3;
	(erf) = vpow2.f32 v5;
	v5 =	vpop (erf);
	v16 =	vadd.f32 $2.000000030e-01, v20  }
.Ltmp3:
0xe1: {  	v7 =	vmovc v2;
	v13 =	vadd.f32 v19, v13;
	v14 =	vmul.f32 v9, v9;
	v17 =	vmul.f32 v17, v18;
	(pc) =	sbr.rel @p0 .LBB2_8-.Ltmp3, $4  }
0xe2: {  	v2 =	vmovc v0;
	v0 =	vmovc v1;
	v6 =	vmul.f32 $1.442695020e+00, v6;
	v8 =	vsub.f32 $0.0e+00, v8;
	v18 =	vmul.f32 v16, v11  }
0xe3: {  	v1 =	vmovc v3;
	v19 =	vadd.f32 $1.000000000e+00, v5;
	v20 =	vmul.f32 $1.111111120e-01, v14;
	v13 =	vadd.f32 v17, v13  }
0xe4: {  	v5 =	vmul.f32 $1.442695020e+00, v8;
	(erf) = vpow2.f32 v6;
	v16 =	vpop (erf);
	v17 =	vadd.f32 $3.333333430e-01, v18  }
0xe5: {  	s17 =	sadd.s32 $0x10, s17;
	s20 =	sadd.s32 $0x1, s20;
	(erf) = vrcp.f32 v19;
	v3 =	vpop (erf);
	v6 =	vadd.f32 $2.000000000e+00, v16;
	v18 =	vadd.f32 $1.428571490e-01, v20  }
0xe6: {  	_ = 	snop  }
0xe7: {  	(erf) = vrcp.f32 v6  }
0xe8: {  	(erf) = vpow2.f32 v5;
	_ =	sdelay $0x2  }
0xe9: {  	v19 =	vpop (erf)  }
0xea: {  	v6 =	vsub.f32 $0.0e+00, v3;
	v5 =	vpop (erf)  }
0xeb: {  	v5 =	vadd.f32 $1.000000000e+00, v5;
	v20 =	vpop (erf)  }
0xec: {  	v6 =	vmul.f32 $1.442695020e+00, v6;
	v8 =	vpop (erf)  }
0xed: {  	v21 =	vsub.f32 $0.0e+00, v8  }
0xee: {  	(erf) = vpow2.f32 v6;
	v6 =	vadd.f32 $2.000000000e+00, v20;
	v22 =	vpop (erf)  }
0xef: {  	(erf) = vrcp.f32 v5;
	v5 =	vpop (erf);
	v21 =	vmul.f32 $1.442695020e+00, v21  }
0xf0: {  	(erf) = vrcp.f32 v6;
	v5 =	vadd.f32 $1.000000000e+00, v5  }
0xf1: {  	(erf) = vpow2.f32 v21  }
0xf2: {  	(erf) = vrcp.f32 v5;
	_ =	sdelay $0x4  }
0xf3: {  	v59 =	vpop (erf)  }
0xf4: {  	v6 =	vpop (erf)  }
0xf5: {  	v23 =	vpop (erf)  }
0xf6: {  	v11 =	vmul.f32 v17, v11;
	v4 =	vmul.f32 v4, v15;
	v24 =	vsub.f32 $0.0e+00, v6;
	v29 =	vpop (erf)  }
0xf7: {  	v10 =	vadd.f32 v10, v10;
	v12 =	vmul.f32 v19, v12;
	v30 =	vadd.f32 $2.000000000e+00, v59;
	v5 =	vpop (erf)  }
0xf8: {  	v17 =	vmul.f32 v18, v14;
	v24 =	vmul.f32 $1.442695020e+00, v24;
	v34 =	vsub.f32 $0.0e+00, v5  }
0xf9: {  	v18 =	vmul.f32 v12, v12;
	(erf) = vrcp.f32 v30;
	v30 =	vadd.f32 $2.000000000e+00, v29  }
0xfa: {  	v11 =	vadd.f32 $1.000000000e+00, v11;
	(erf) = vpow2.f32 v24;
	v24 =	vmul.f32 $1.442695020e+00, v34  }
0xfb: {  	v15 =	vadd.f32 $2.000000030e-01, v17;
	v17 =	vmul.f32 $1.111111120e-01, v18;
	(erf) = vrcp.f32 v30  }
0xfc: {  	v4 =	vadd.f32 v4, v13;
	(erf) = vpow2.f32 v24  }
0xfd: {  	s17 =	simm.s32 $0x1820;
	v10 =	vmul.f32 v11, v10;
	v11 =	vmul.f32 v15, v14;
	v15 =	vadd.f32 $1.428571490e-01, v17  }
0xfe: {  	vm6 =	veq.s32 v26, s31;
	v13 =	vld [tilespmem:s17+$0x0]  }
0xff: {  	v4 =	vadd.f32 v10, v4;
	v10 =	vadd.f32 $3.333333430e-01, v11;
	v11 =	vmul.f32 v15, v18  }
0x100: {  	v17 =	vsel vm6, $0x0, v25;
	v16 =	vmul.f32 v22, v16  }
0x101: {  	v17 =	vmul.f32 v7, v17;
	v11 =	vadd.f32 $2.000000030e-01, v11  }
0x102: {  	v10 =	vmul.f32 v10, v14;
	v14 =	vmul.f32 v16, v16;
	v19 =	vpop (erf)  }
0x103: {  	v9 =	vadd.f32 v9, v9;
	v13 =	vsub.f32 $0.0e+00, v13;
	v11 =	vmul.f32 v11, v18;
	v15 =	vpop (erf)  }
0x104: {  	v10 =	vadd.f32 $1.000000000e+00, v10;
	v4 =	vadd.f32 v17, v4;
	v62 =	vmul.f32 $1.111111120e-01, v14;
	v24 =	vpop (erf)  }
0x105: {  	v13 =	vmul.f32 $1.442695020e+00, v13;
	v11 =	vadd.f32 $3.333333430e-01, v11;
	v60 =	vadd.f32 $2.000000000e+00, v15;
	v7 =	vpop (erf)  }
0x106: {  	v9 =	vmul.f32 v10, v9;
	v10 =	vadd.f32 $1.428571490e-01, v62;
	v61 =	vadd.f32 $2.000000000e+00, v7  }
0x107: {  	v11 =	vmul.f32 v11, v18;
	(erf) = vrcp.f32 v60  }
0x108: {  	s20 =	simm.s32 $0x1830;
	v4 =	vadd.f32 v9, v4;
	v9 =	vmul.f32 v10, v14;
	(erf) = vrcp.f32 v61  }
0x109: {  	vm6 =	veq.s32 v26, s30;
	v17 =	vmul.f32 v23, v20;
	(erf) = vpow2.f32 v13;
	v13 =	vld [tilespmem:s20+$0x0]  }
0x10a: {  	v18 =	vsel vm6, $0x0, v25;
	v10 =	vadd.f32 v12, v12;
	v11 =	vadd.f32 $1.000000000e+00, v11  }
0x10b: {  	v2 =	vmul.f32 v2, v18;
	v9 =	vadd.f32 $2.000000030e-01, v9;
	v12 =	vmul.f32 v17, v17  }
0x10c: {  	v10 =	vmul.f32 v11, v10  }
0x10d: {  	v2 =	vadd.f32 v2, v4;
	v4 =	vmul.f32 v9, v14;
	v11 =	vmul.f32 $1.111111120e-01, v12  }
0x10e: {  	v13 =	vsub.f32 $0.0e+00, v13  }
0x10f: {  	vm6 =	veq.s32 v26, s29;
	v4 =	vadd.f32 $3.333333430e-01, v4;
	v11 =	vadd.f32 $1.428571490e-01, v11  }
0x110: {  	v63 =	vsel vm6, $0x0, v25;
	v13 =	vmul.f32 $1.442695020e+00, v13  }
0x111: {  	v2 =	vadd.f32 v10, v2;
	v4 =	vmul.f32 v4, v14;
	v11 =	vmul.f32 v11, v12;
	v9 =	vpop (erf);
	s20 =	simm.s32 $0x1840  }
0x112: {  	v18 =	vmul.f32 v19, v59;
	v14 =	vadd.f32 v16, v16;
	v20 =	vld [tilespmem:s20+$0x0];
	v19 =	vpop (erf);
	(erf) = vpow2.f32 v13  }
0x113: {  	v0 =	vmul.f32 v0, v63;
	v4 =	vadd.f32 $1.000000000e+00, v4;
	v11 =	vadd.f32 $2.000000030e-01, v11;
	v10 =	vpop (erf)  }
0x114: {  	v13 =	vmul.f32 v18, v18;
	v10 =	vadd.f32 $1.000000000e+00, v10  }
0x115: {  	v0 =	vadd.f32 v0, v2;
	v2 =	vmul.f32 v4, v14;
	v11 =	vmul.f32 v11, v12  }
0x116: {  	vm6 =	veq.s32 v26, s16;
	(erf) = vrcp.f32 v10;
	v10 =	vmul.f32 $1.111111120e-01, v13  }
0x117: {  	v16 =	vsel vm6, $0x0, v25;
	v11 =	vadd.f32 $3.333333430e-01, v11;
	v4 =	vsub.f32 $0.0e+00, v20  }
0x118: {  	v0 =	vadd.f32 v2, v0;
	v2 =	vmul.f32 v24, v29;
	s20 =	simm.s32 $0x1850;
	v10 =	vadd.f32 $1.428571490e-01, v10  }
0x119: {  	v11 =	vmul.f32 v11, v12;
	v14 =	vld [tilespmem:s20+$0x0];
	v4 =	vmul.f32 $1.442695020e+00, v4  }
0x11a: {  	v12 =	vadd.f32 v17, v17;
	v17 =	vmul.f32 v2, v2;
	v10 =	vmul.f32 v10, v13  }
0x11b: {  	v1 =	vmul.f32 v1, v16;
	v11 =	vadd.f32 $1.000000000e+00, v11;
	(erf) = vpow2.f32 v4;
	v16 =	vpop (erf)  }
0x11c: {  	v10 =	vadd.f32 $2.000000030e-01, v10;
	v4 =	vadd.f32 $1.000000000e+00, v16;
	v16 =	vmul.f32 $1.111111120e-01, v17  }
0x11d: {  	v1 =	vadd.f32 v1, v0;
	v11 =	vmul.f32 v11, v12  }
0x11e: {  	v14 =	vsub.f32 $0.0e+00, v14;
	v10 =	vmul.f32 v10, v13;
	v12 =	vadd.f32 $1.428571490e-01, v16  }
0x11f: {  	s17 =	simm.s32 $0x1860;
	vm6 =	veq.s32 v26, s15;
	v1 =	vadd.f32 v11, v1;
	(erf) = vrcp.f32 v4  }
0x120: {  	v14 =	vmul.f32 $1.442695020e+00, v14;
	v4 =	vadd.f32 $3.333333430e-01, v10;
	v11 =	vmul.f32 v12, v17;
	v12 =	vld [tilespmem:s17+$0x0]  }
0x121: {  	v9 =	vmul.f32 v9, v15;
	v0 =	vpop (erf);
	v16 =	vsel vm6, $0x0, v25  }
0x122: {  	v10 =	vsub.f32 $0.0e+00, v0;
	(erf) = vpow2.f32 v14;
	v4 =	vmul.f32 v4, v13  }
0x123: {  	vm6 =	veq.s32 v26, s14;
	v3 =	vmul.f32 v3, v16;
	v13 =	vadd.f32 v18, v18  }
0x124: {  	v10 =	vmul.f32 $1.442695020e+00, v10;
	v11 =	vadd.f32 $2.000000030e-01, v11;
	v4 =	vadd.f32 $1.000000000e+00, v4  }
0x125: {  	v14 =	vmul.f32 v9, v9;
	v1 =	vadd.f32 v3, v1;
	v12 =	vsub.f32 $0.0e+00, v12  }
0x126: {  	v15 =	vpop (erf);
	(erf) = vpow2.f32 v10;
	v10 =	vsel vm6, $0x0, v25;
	v3 =	vmul.f32 v11, v17  }
0x127: {  	v11 =	vadd.f32 $1.000000000e+00, v15;
	v8 =	vmul.f32 v8, v10;
	v10 =	vmul.f32 $1.442695020e+00, v12  }
0x128: {  	v15 =	vmul.f32 $1.111111120e-01, v14;
	v13 =	vmul.f32 v4, v13;
	v3 =	vadd.f32 $3.333333430e-01, v3;
	v4 =	vpop (erf)  }
0x129: {  	s20 =	simm.s32 $0x1870;
	v7 =	vmul.f32 v19, v7;
	(erf) = vrcp.f32 v11;
	v11 =	vsub.f32 $0.0e+00, v4  }
0x12a: {  	v1 =	vadd.f32 v13, v1;
	v12 =	vadd.f32 $1.428571490e-01, v15;
	v13 =	vld [tilespmem:s20+$0x0];
	v3 =	vmul.f32 v3, v17  }
0x12b: {  	(erf) = vpow2.f32 v10;
	v11 =	vmul.f32 $1.442695020e+00, v11;
	v10 =	vpop (erf)  }
0x12c: {  	v15 =	vmul.f32 v7, v7;
	v12 =	vmul.f32 v12, v14;
	v10 =	vadd.f32 $1.000000000e+00, v10  }
0x12d: {  	v2 =	vadd.f32 v2, v2;
	v3 =	vadd.f32 $1.000000000e+00, v3;
	(erf) = vpow2.f32 v11  }
0x12e: {  	v12 =	vadd.f32 $2.000000030e-01, v12;
	(erf) = vrcp.f32 v10;
	v10 =	vmul.f32 $1.111111120e-01, v15  }
0x12f: {  	v1 =	vadd.f32 v8, v1;
	v13 =	vsub.f32 $0.0e+00, v13  }
0x130: {  	v3 =	vmul.f32 v3, v2;
	v8 =	vmul.f32 v12, v14;
	v11 =	vpop (erf);
	v10 =	vadd.f32 $1.428571490e-01, v10  }
0x131: {  	vm6 =	veq.s32 v26, s2;
	v12 =	vmul.f32 $1.442695020e+00, v13;
	v16 =	vadd.f32 $2.000000000e+00, v11  }
0x132: {  	v3 =	vadd.f32 v3, v1;
	v8 =	vadd.f32 $3.333333430e-01, v8;
	v2 =	vpop (erf);
	v1 =	vmul.f32 v10, v15  }
0x133: {  	(erf) = vrcp.f32 v16;
	v16 =	vsel vm6, $0x0, v25;
	v13 =	vsub.f32 $0.0e+00, v2  }
0x134: {  	v8 =	vmul.f32 v8, v14;
	v6 =	vmul.f32 v6, v16;
	v1 =	vadd.f32 $2.000000030e-01, v1  }
0x135: {  	s15 =	simm.s32 $0x1880;
	v9 =	vadd.f32 v9, v9;
	(erf) = vpow2.f32 v12;
	v12 =	vpop (erf);
	v13 =	vmul.f32 $1.442695020e+00, v13  }
0x136: {  	v10 =	vld [tilespmem:s15+$0x0];
	v12 =	vadd.f32 $1.000000000e+00, v12;
	v8 =	vadd.f32 $1.000000000e+00, v8;
	v17 =	vmul.f32 v1, v15  }
0x137: {  	v3 =	vadd.f32 v6, v3;
	v16 =	vpop (erf);
	(erf) = vpow2.f32 v13  }
0x138: {  	v8 =	vmul.f32 v8, v9;
	(erf) = vrcp.f32 v12;
	v12 =	vadd.f32 $3.333333430e-01, v17  }
0x139: {  	v13 =	vadd.f32 $2.000000000e+00, v16  }
0x13a: {  	vm6 =	veq.s32 v26, s0;
	v3 =	vadd.f32 v8, v3;
	v8 =	vmul.f32 v12, v15  }
0x13b: {  	v14 =	vsel vm6, $0x0, v25;
	v6 =	vsub.f32 $0.0e+00, v10;
	v1 =	vpop (erf);
	(erf) = vrcp.f32 v13  }
0x13c: {  	s16 =	simm.s32 $0x1890;
	v7 =	vadd.f32 v7, v7;
	v5 =	vmul.f32 v5, v14;
	v8 =	vadd.f32 $1.000000000e+00, v8  }
0x13d: {  	v13 =	vld [tilespmem:s16+$0x0];
	v6 =	vmul.f32 $1.442695020e+00, v6  }
0x13e: {  	v5 =	vadd.f32 v5, v3;
	v10 =	vpop (erf);
	v7 =	vmul.f32 v8, v7  }
0x13f: {  	v9 =	vmul.f32 v10, v11;
	v10 =	vsub.f32 $0.0e+00, v1  }
0x140: {  	(erf) = vpow2.f32 v6;
	v5 =	vadd.f32 v7, v5  }
0x141: {  	v11 =	vmul.f32 v9, v9;
	v6 =	vpop (erf);
	v10 =	vmul.f32 $1.442695020e+00, v10  }
0x142: {  	v6 =	vadd.f32 $1.000000000e+00, v6;
	v12 =	vpop (erf);
	v8 =	vsub.f32 $0.0e+00, v13  }
0x143: {  	s17 =	simm.s32 $0x18A0;
	v14 =	vmul.f32 $1.111111120e-01, v11;
	(erf) = vpow2.f32 v10;
	v3 =	vpop (erf)  }
0x144: {  	v17 =	vld [tilespmem:s17+$0x0];
	(erf) = vrcp.f32 v6;
	v7 =	vmul.f32 $1.442695020e+00, v8;
	v8 =	vadd.f32 $2.000000000e+00, v12;
	[tilespmem:$0x1FE50] =	vst v5;
	v5 =	vpop (erf)  }
0x145: {  	v6 =	vadd.f32 $1.428571490e-01, v14;
	v10 =	vmul.f32 v5, v16;
	v5 =	vsub.f32 $0.0e+00, v3  }
0x146: {  	(erf) = vrcp.f32 v8  }
0x147: {  	v6 =	vmul.f32 v6, v11;
	v5 =	vmul.f32 $1.442695020e+00, v5  }
0x148: {  	(erf) = vpow2.f32 v7  }
0x149: {  	v6 =	vadd.f32 $2.000000030e-01, v6;
	v8 =	vpop (erf);
	v16 =	vsub.f32 $0.0e+00, v17;
	(erf) = vpow2.f32 v5;
	v5 =	vld [tilespmem:$0x1810]  }
0x14a: {  	v56 =	vld [tilespmem:$0x17D0];
	s20 =	simm.s32 $0x0;
	v14 =	vmul.f32 v10, v10  }
0x14b: {  	v54 =	vld [tilespmem:$0x17E0];
	s31 =	simm.s32 $0x1;
	vm6 =	veq.s32 v26, s20;
	v17 =	vmul.f32 v6, v11  }
0x14c: {  	v53 =	vld [tilespmem:$0x17F0];
	s30 =	simm.s32 $0x2;
	s29 =	simm.s32 $0x3;
	s14 =	simm.s32 $0x6;
	v15 =	vsel vm6, $0x0, v25;
	v7 =	vadd.f32 $1.000000000e+00, v8;
	v8 =	vmul.f32 $1.111111120e-01, v14  }
0x14d: {  	v55 =	vld [tilespmem:$0x1800];
	s2 =	simm.s32 $0x7;
	s0 =	simm.s32 $0x8;
	s15 =	simm.s32 $0x5;
	v13 =	vimm.f32 $0.0e+00;
	v6 =	vmul.f32 $1.442695020e+00, v16;
	v16 =	vpop (erf);
	v17 =	vadd.f32 $3.333333430e-01, v17  }
0x14e: {  	s20 =	simm.s32 $0x9;
	s16 =	simm.s32 $0x4;
	s17 =	simm.s32 $0x18B0;
	(erf) = vrcp.f32 v7;
	v7 =	vadd.f32 $2.000000000e+00, v16;
	v18 =	vadd.f32 $1.428571490e-01, v8;
	[tilespmem:$0x1FE60] =	vst v5;
	v5 =	vpop (erf)  }
.LBB2_10:
0x14f: {  	v8 =	vld [tilespmem:s17+$0x0];
	p0 =	sne.s32 s20, $0x4F;
	vm6 =	veq.s32 v26, s31;
	v19 =	vmul.f32 v0, v15;
	v17 =	vmul.f32 v17, v11;
	v11 =	vmovc v14;
	v0 =	vmovc v4;
	s31 =	smov.u32 s30;
	s30 =	smov.u32 s29  }
0x150: {  	s29 =	smov.u32 s16;
	s16 =	smov.u32 s15;
	s15 =	smov.u32 s14;
	(erf) = vrcp.f32 v7;
	v4 =	vpop (erf);
	v15 =	vsel vm6, $0x0, v25;
	v7 =	vmul.f32 v18, v11  }
0x151: {  	s14 =	smov.u32 s2;
	s2 =	smov.u32 s0;
	s0 =	smov.u32 s20;
	v18 =	vadd.f32 v9, v9;
	v9 =	vmovc v10;
	v17 =	vadd.f32 $1.000000000e+00, v17;
	v10 =	vmul.f32 v4, v12;
	v12 =	vmovc v16  }
0x152: {  	v16 =	vsub.f32 $0.0e+00, v5;
	(erf) = vpow2.f32 v6;
	v6 =	vpop (erf);
	v7 =	vadd.f32 $2.000000030e-01, v7  }
.Ltmp4:
0x153: {  	v13 =	vadd.f32 v19, v13;
	v4 =	vmovc v2;
	v14 =	vmul.f32 v10, v10;
	v17 =	vmul.f32 v17, v18;
	(pc) =	sbr.rel @p0 .LBB2_10-.Ltmp4, $4  }
0x154: {  	v2 =	vmovc v1;
	v1 =	vmovc v3;
	v20 =	vmul.f32 $1.442695020e+00, v16;
	v8 =	vsub.f32 $0.0e+00, v8;
	v7 =	vmul.f32 v7, v11  }
0x155: {  	v3 =	vmovc v5;
	v18 =	vadd.f32 $1.000000000e+00, v6;
	v19 =	vmul.f32 $1.111111120e-01, v14;
	v13 =	vadd.f32 v17, v13  }
0x156: {  	v6 =	vmul.f32 $1.442695020e+00, v8;
	(erf) = vpow2.f32 v20;
	v16 =	vpop (erf);
	v17 =	vadd.f32 $3.333333430e-01, v7  }
0x157: {  	s17 =	sadd.s32 $0x10, s17;
	s20 =	sadd.s32 $0x1, s20;
	(erf) = vrcp.f32 v18;
	v5 =	vpop (erf);
	v7 =	vadd.f32 $2.000000000e+00, v16;
	v18 =	vadd.f32 $1.428571490e-01, v19  }
0x158: {  	_ = 	snop  }
0x159: {  	(erf) = vrcp.f32 v7  }
0x15a: {  	(erf) = vpow2.f32 v6;
	_ =	sdelay $0x2  }
0x15b: {  	v19 =	vpop (erf)  }
0x15c: {  	v7 =	vsub.f32 $0.0e+00, v5;
	v6 =	vpop (erf)  }
0x15d: {  	v6 =	vadd.f32 $1.000000000e+00, v6;
	v20 =	vpop (erf)  }
0x15e: {  	v7 =	vmul.f32 $1.442695020e+00, v7;
	v8 =	vpop (erf)  }
0x15f: {  	v21 =	vsub.f32 $0.0e+00, v8  }
0x160: {  	(erf) = vpow2.f32 v7;
	v7 =	vadd.f32 $2.000000000e+00, v20;
	v22 =	vpop (erf)  }
0x161: {  	(erf) = vrcp.f32 v6;
	v6 =	vpop (erf);
	v21 =	vmul.f32 $1.442695020e+00, v21  }
0x162: {  	(erf) = vrcp.f32 v7;
	v6 =	vadd.f32 $1.000000000e+00, v6  }
0x163: {  	(erf) = vpow2.f32 v21  }
0x164: {  	(erf) = vrcp.f32 v6;
	_ =	sdelay $0x4  }
0x165: {  	v21 =	vpop (erf)  }
0x166: {  	v7 =	vpop (erf)  }
0x167: {  	v23 =	vpop (erf)  }
0x168: {  	v24 =	vsub.f32 $0.0e+00, v7;
	v29 =	vpop (erf)  }
0x169: {  	v11 =	vmul.f32 v17, v11;
	v30 =	vadd.f32 $2.000000000e+00, v21;
	v6 =	vpop (erf)  }
0x16a: {  	v17 =	vmul.f32 v18, v14;
	v24 =	vmul.f32 $1.442695020e+00, v24;
	v34 =	vsub.f32 $0.0e+00, v6  }
0x16b: {  	v12 =	vmul.f32 v19, v12;
	(erf) = vrcp.f32 v30;
	v30 =	vadd.f32 $2.000000000e+00, v29  }
0x16c: {  	(erf) = vpow2.f32 v24;
	v24 =	vmul.f32 $1.442695020e+00, v34  }
0x16d: {  	v18 =	vmul.f32 v12, v12;
	(erf) = vrcp.f32 v30  }
0x16e: {  	v0 =	vmul.f32 v0, v15;
	v9 =	vadd.f32 v9, v9;
	(erf) = vpow2.f32 v24  }
0x16f: {  	v11 =	vadd.f32 $1.000000000e+00, v11;
	v15 =	vadd.f32 $2.000000030e-01, v17;
	v17 =	vmul.f32 $1.111111120e-01, v18  }
0x170: {  	v0 =	vadd.f32 v0, v13  }
0x171: {  	s17 =	simm.s32 $0x1D70;
	v9 =	vmul.f32 v11, v9;
	v11 =	vmul.f32 v15, v14;
	v15 =	vadd.f32 $1.428571490e-01, v17  }
0x172: {  	v13 =	vld [tilespmem:s17+$0x0]  }
0x173: {  	v9 =	vadd.f32 v9, v0;
	v0 =	vadd.f32 $3.333333430e-01, v11;
	v11 =	vmul.f32 v15, v18  }
0x174: {  	vm6 =	veq.s32 v26, s31;
	v19 =	vpop (erf)  }
0x175: {  	v17 =	vsel vm6, $0x0, v25;
	v11 =	vadd.f32 $2.000000030e-01, v11;
	v15 =	vpop (erf)  }
0x176: {  	v4 =	vmul.f32 v4, v17;
	v16 =	vmul.f32 v22, v16;
	v17 =	vadd.f32 $2.000000000e+00, v15;
	v22 =	vpop (erf)  }
0x177: {  	v13 =	vsub.f32 $0.0e+00, v13;
	v14 =	vmul.f32 v0, v14;
	v11 =	vmul.f32 v11, v18;
	v0 =	vpop (erf)  }
0x178: {  	v24 =	vmul.f32 v16, v16;
	(erf) = vrcp.f32 v17;
	v17 =	vadd.f32 $2.000000000e+00, v0  }
0x179: {  	v10 =	vadd.f32 v10, v10;
	v13 =	vmul.f32 $1.442695020e+00, v13;
	v14 =	vadd.f32 $1.000000000e+00, v14  }
0x17a: {  	v11 =	vadd.f32 $3.333333430e-01, v11;
	(erf) = vrcp.f32 v17;
	v17 =	vmul.f32 $1.111111120e-01, v24  }
0x17b: {  	s20 =	simm.s32 $0x1D80;
	v4 =	vadd.f32 v4, v9;
	v9 =	vmul.f32 v14, v10  }
0x17c: {  	v11 =	vmul.f32 v11, v18;
	(erf) = vpow2.f32 v13;
	v13 =	vld [tilespmem:s20+$0x0];
	v10 =	vadd.f32 $1.428571490e-01, v17  }
0x17d: {  	vm6 =	veq.s32 v26, s30;
	v14 =	vmul.f32 v23, v20  }
0x17e: {  	v4 =	vadd.f32 v9, v4;
	v11 =	vadd.f32 $1.000000000e+00, v11;
	v9 =	vmul.f32 v10, v24  }
0x17f: {  	v17 =	vsel vm6, $0x0, v25;
	v10 =	vadd.f32 v12, v12;
	v12 =	vmul.f32 v14, v14  }
0x180: {  	v2 =	vmul.f32 v2, v17;
	v9 =	vadd.f32 $2.000000030e-01, v9  }
0x181: {  	v13 =	vsub.f32 $0.0e+00, v13;
	v10 =	vmul.f32 v11, v10;
	v11 =	vmul.f32 $1.111111120e-01, v12  }
0x182: {  	v2 =	vadd.f32 v2, v4  }
0x183: {  	v4 =	vmul.f32 v9, v24;
	v13 =	vmul.f32 $1.442695020e+00, v13;
	v11 =	vadd.f32 $1.428571490e-01, v11;
	_ =	sdelay $0x1  }
0x184: {  	s20 =	simm.s32 $0x1D90;
	v9 =	vpop (erf);
	v4 =	vadd.f32 $3.333333430e-01, v4;
	(erf) = vpow2.f32 v13;
	v11 =	vmul.f32 v11, v12  }
0x185: {  	v16 =	vadd.f32 v16, v16;
	vm6 =	veq.s32 v26, s29;
	v17 =	vmul.f32 v19, v21;
	v19 =	vld [tilespmem:s20+$0x0];
	v18 =	vpop (erf)  }
0x186: {  	v2 =	vadd.f32 v10, v2;
	v10 =	vpop (erf);
	v4 =	vmul.f32 v4, v24;
	v11 =	vadd.f32 $2.000000030e-01, v11  }
0x187: {  	v20 =	vsel vm6, $0x0, v25;
	v13 =	vmul.f32 v17, v17;
	v10 =	vadd.f32 $1.000000000e+00, v10  }
0x188: {  	v1 =	vmul.f32 v1, v20;
	v4 =	vadd.f32 $1.000000000e+00, v4;
	v11 =	vmul.f32 v11, v12  }
0x189: {  	(erf) = vrcp.f32 v10;
	v10 =	vmul.f32 $1.111111120e-01, v13  }
0x18a: {  	v1 =	vadd.f32 v1, v2;
	v2 =	vmul.f32 v4, v16;
	v4 =	vsub.f32 $0.0e+00, v19  }
0x18b: {  	vm6 =	veq.s32 v26, s16;
	v11 =	vadd.f32 $3.333333430e-01, v11;
	v10 =	vadd.f32 $1.428571490e-01, v10  }
0x18c: {  	s20 =	simm.s32 $0x1DA0;
	v1 =	vadd.f32 v2, v1;
	v2 =	vmul.f32 v22, v29;
	v4 =	vmul.f32 $1.442695020e+00, v4  }
0x18d: {  	v16 =	vld [tilespmem:s20+$0x0];
	v11 =	vmul.f32 v11, v12;
	v12 =	vadd.f32 v14, v14;
	v10 =	vmul.f32 v10, v13;
	v14 =	vpop (erf)  }
0x18e: {  	v20 =	vsel vm6, $0x0, v25;
	(erf) = vpow2.f32 v4;
	v4 =	vadd.f32 $1.000000000e+00, v14  }
0x18f: {  	v3 =	vmul.f32 v3, v20;
	v19 =	vmul.f32 v2, v2;
	v10 =	vadd.f32 $2.000000030e-01, v10  }
0x190: {  	v11 =	vadd.f32 $1.000000000e+00, v11;
	(erf) = vrcp.f32 v4  }
0x191: {  	v1 =	vadd.f32 v3, v1;
	v3 =	vmul.f32 v10, v13;
	v10 =	vmul.f32 $1.111111120e-01, v19  }
0x192: {  	vm6 =	veq.s32 v26, s15;
	v9 =	vmul.f32 v9, v15;
	v14 =	vsub.f32 $0.0e+00, v16;
	v60 =	vpop (erf)  }
0x193: {  	v11 =	vmul.f32 v11, v12;
	v4 =	vsub.f32 $0.0e+00, v60;
	v10 =	vadd.f32 $1.428571490e-01, v10  }
0x194: {  	s17 =	simm.s32 $0x1DB0;
	v12 =	vmul.f32 $1.442695020e+00, v14;
	v14 =	vsel vm6, $0x0, v25;
	v3 =	vadd.f32 $3.333333430e-01, v3  }
0x195: {  	v1 =	vadd.f32 v11, v1;
	v11 =	vld [tilespmem:s17+$0x0];
	v4 =	vmul.f32 $1.442695020e+00, v4;
	v10 =	vmul.f32 v10, v19  }
0x196: {  	vm6 =	veq.s32 v26, s14;
	(erf) = vpow2.f32 v12;
	v3 =	vmul.f32 v3, v13  }
0x197: {  	(erf) = vpow2.f32 v4;
	v4 =	vmul.f32 v5, v14;
	v10 =	vadd.f32 $2.000000030e-01, v10  }
0x198: {  	v12 =	vadd.f32 v17, v17;
	v13 =	vmul.f32 v9, v9;
	v3 =	vadd.f32 $1.000000000e+00, v3;
	v14 =	vpop (erf)  }
0x199: {  	v1 =	vadd.f32 v4, v1;
	v4 =	vmul.f32 v10, v19;
	v10 =	vadd.f32 $1.000000000e+00, v14  }
0x19a: {  	v5 =	vsel vm6, $0x0, v25;
	v11 =	vsub.f32 $0.0e+00, v11;
	v3 =	vmul.f32 v3, v12;
	v63 =	vpop (erf)  }
0x19b: {  	v12 =	vmul.f32 $1.111111120e-01, v13;
	(erf) = vrcp.f32 v10;
	v10 =	vsub.f32 $0.0e+00, v63  }
0x19c: {  	s20 =	simm.s32 $0x1DC0;
	v1 =	vadd.f32 v3, v1;
	v3 =	vmul.f32 v8, v5;
	v5 =	vmul.f32 $1.442695020e+00, v11  }
0x19d: {  	v4 =	vadd.f32 $3.333333430e-01, v4;
	v11 =	vld [tilespmem:s20+$0x0]  }
0x19e: {  	v8 =	vadd.f32 $1.428571490e-01, v12;
	v10 =	vmul.f32 $1.442695020e+00, v10  }
0x19f: {  	v0 =	vmul.f32 v18, v0;
	v4 =	vmul.f32 v4, v19  }
0x1a0: {  	v2 =	vadd.f32 v2, v2;
	(erf) = vpow2.f32 v5;
	v8 =	vmul.f32 v8, v13;
	v5 =	vpop (erf)  }
0x1a1: {  	v12 =	vmul.f32 v0, v0;
	v4 =	vadd.f32 $1.000000000e+00, v4;
	v5 =	vadd.f32 $1.000000000e+00, v5  }
0x1a2: {  	(erf) = vpow2.f32 v10;
	v8 =	vadd.f32 $2.000000030e-01, v8;
	v11 =	vsub.f32 $0.0e+00, v11;
	v10 =	vpop (erf)  }
0x1a3: {  	v14 =	vadd.f32 $2.000000000e+00, v10;
	(erf) = vrcp.f32 v5;
	v5 =	vmul.f32 $1.111111120e-01, v12  }
0x1a4: {  	v1 =	vadd.f32 v3, v1;
	v3 =	vmul.f32 v8, v13;
	v2 =	vmul.f32 v4, v2  }
0x1a5: {  	(erf) = vrcp.f32 v14;
	v4 =	vadd.f32 $1.428571490e-01, v5;
	v5 =	vmul.f32 $1.442695020e+00, v11  }
0x1a6: {  	vm6 =	veq.s32 v26, s2  }
0x1a7: {  	v3 =	vadd.f32 $3.333333430e-01, v3;
	v1 =	vadd.f32 v2, v1;
	v61 =	vpop (erf);
	v2 =	vmul.f32 v4, v12  }
0x1a8: {  	s15 =	simm.s32 $0x1DD0;
	v14 =	vsel vm6, $0x0, v25;
	v8 =	vsub.f32 $0.0e+00, v61  }
0x1a9: {  	v3 =	vmul.f32 v3, v13;
	v4 =	vld [tilespmem:s15+$0x0];
	(erf) = vpow2.f32 v5;
	v5 =	vpop (erf);
	v2 =	vadd.f32 $2.000000030e-01, v2  }
0x1aa: {  	v9 =	vadd.f32 v9, v9;
	v7 =	vmul.f32 v7, v14;
	v5 =	vadd.f32 $1.000000000e+00, v5  }
0x1ab: {  	v8 =	vmul.f32 $1.442695020e+00, v8;
	v3 =	vadd.f32 $1.000000000e+00, v3;
	v2 =	vmul.f32 v2, v12  }
0x1ac: {  	v0 =	vadd.f32 v0, v0;
	vm6 =	veq.s32 v26, s0;
	v1 =	vadd.f32 v7, v1;
	v13 =	vpop (erf)  }
0x1ad: {  	(erf) = vpow2.f32 v8;
	v7 =	vmul.f32 v3, v9;
	v57 =	vpop (erf);
	v2 =	vadd.f32 $3.333333430e-01, v2  }
0x1ae: {  	v8 =	vadd.f32 $2.000000000e+00, v13;
	(erf) = vrcp.f32 v5;
	v4 =	vsub.f32 $0.0e+00, v4;
	v5 =	vpop (erf)  }
0x1af: {  	v11 =	vsel vm6, $0x0, v25;
	v3 =	vmul.f32 v5, v10;
	v2 =	vmul.f32 v2, v12  }
0x1b0: {  	v1 =	vadd.f32 v7, v1;
	(erf) = vrcp.f32 v8;
	v4 =	vmul.f32 $1.442695020e+00, v4  }
0x1b1: {  	s16 =	simm.s32 $0x1DE0;
	v5 =	vmul.f32 v6, v11;
	v8 =	vmul.f32 v3, v3;
	v2 =	vadd.f32 $1.000000000e+00, v2  }
0x1b2: {  	v7 =	vld [tilespmem:s16+$0x0];
	v6 =	vsub.f32 $0.0e+00, v57  }
0x1b3: {  	v1 =	vadd.f32 v5, v1;
	v10 =	vmul.f32 $1.111111120e-01, v8;
	v0 =	vmul.f32 v2, v0  }
0x1b4: {  	(erf) = vpow2.f32 v4  }
0x1b5: {  	v6 =	vmul.f32 $1.442695020e+00, v6;
	v4 =	vpop (erf);
	v2 =	vadd.f32 $1.428571490e-01, v10;
	v0 =	vadd.f32 v0, v1  }
0x1b6: {  	v9 =	vadd.f32 $1.000000000e+00, v4  }
0x1b7: {  	v5 =	vsub.f32 $0.0e+00, v7;
	(erf) = vpow2.f32 v6;
	v4 =	vpop (erf);
	v1 =	vmul.f32 v2, v8  }
0x1b8: {  	(erf) = vrcp.f32 v9;
	v59 =	vpop (erf)  }
0x1b9: {  	[tilespmem:$0x1FE20] =	vst v0;
	v2 =	vmul.f32 $1.442695020e+00, v5;
	v5 =	vadd.f32 $2.000000000e+00, v4;
	v0 =	vpop (erf);
	v1 =	vadd.f32 $2.000000030e-01, v1  }
0x1ba: {  	s17 =	simm.s32 $0x1DF0;
	v6 =	vmul.f32 v0, v13;
	v0 =	vsub.f32 $0.0e+00, v59  }
0x1bb: {  	v7 =	vld [tilespmem:s17+$0x0];
	(erf) = vrcp.f32 v5;
	v1 =	vmul.f32 v1, v8  }
0x1bc: {  	v10 =	vmul.f32 $1.442695020e+00, v0;
	v0 =	vld [tilespmem:$0x1D40]  }
0x1bd: {  	(erf) = vpow2.f32 v2;
	v34 =	vadd.f32 $3.333333430e-01, v1;
	v1 =	vld [tilespmem:$0x1D60]  }
0x1be: {  	s20 =	simm.s32 $0x0;
	v5 =	vpop (erf);
	v21 =	vmul.f32 v6, v6  }
0x1bf: {  	s31 =	simm.s32 $0x6;
	v23 =	vld [tilespmem:$0x1D20];
	vm6 =	veq.s32 v26, s20;
	v2 =	vadd.f32 $1.000000000e+00, v5  }
0x1c0: {  	s30 =	simm.s32 $0x7;
	s29 =	simm.s32 $0x8;
	v18 =	vld [tilespmem:$0x1D30];
	s14 =	simm.s32 $0x3;
	v7 =	vsub.f32 $0.0e+00, v7;
	v5 =	vmul.f32 $1.111111120e-01, v21;
	(erf) = vpow2.f32 v10  }
0x1c1: {  	s2 =	simm.s32 $0x4;
	v19 =	vld [tilespmem:$0x1D50];
	s20 =	simm.s32 $0x9;
	s17 =	simm.s32 $0x1E00;
	v9 =	vimm.f32 $0.0e+00;
	v13 =	vsel vm6, $0x0, v25;
	v12 =	vpop (erf);
	(erf) = vrcp.f32 v2;
	[tilespmem:$0x1FE30] =	vst v0  }
0x1c2: {  	s0 =	simm.s32 $0x5;
	s15 =	simm.s32 $0x2;
	s16 =	simm.s32 $0x1;
	v62 =	vpop (erf);
	v37 =	vadd.f32 $1.428571490e-01, v5;
	v0 =	vmul.f32 $1.442695020e+00, v7;
	[tilespmem:$0x1FE40] =	vst v1;
	v1 =	vadd.f32 $2.000000000e+00, v12  }
.LBB2_12:
0x1c3: {  	v2 =	vld [tilespmem:s17+$0x0];
	p0 =	sne.s32 s20, $0x4F;
	vm6 =	veq.s32 v26, s16;
	v5 =	vmul.f32 v60, v13;
	v7 =	vmul.f32 v34, v8;
	v8 =	vmovc v21;
	v60 =	vmovc v63;
	s16 =	smov.u32 s15;
	s15 =	smov.u32 s14  }
0x1c4: {  	s14 =	smov.u32 s2;
	s2 =	smov.u32 s0;
	s0 =	smov.u32 s31;
	(erf) = vrcp.f32 v1;
	v1 =	vpop (erf);
	v13 =	vsel vm6, $0x0, v25;
	v10 =	vmul.f32 v37, v8  }
0x1c5: {  	v11 =	vadd.f32 v3, v3;
	v3 =	vmovc v6;
	s31 =	smov.u32 s30;
	s30 =	smov.u32 s29;
	s29 =	smov.u32 s20;
	v7 =	vadd.f32 $1.000000000e+00, v7;
	v6 =	vmul.f32 v1, v4;
	v4 =	vmovc v12  }
0x1c6: {  	v1 =	vsub.f32 $0.0e+00, v62;
	(erf) = vpow2.f32 v0;
	v0 =	vpop (erf);
	v10 =	vadd.f32 $2.000000030e-01, v10  }
.Ltmp5:
0x1c7: {  	v63 =	vmovc v61;
	v5 =	vadd.f32 v5, v9;
	v21 =	vmul.f32 v6, v6;
	v7 =	vmul.f32 v7, v11;
	(pc) =	sbr.rel @p0 .LBB2_12-.Ltmp5, $4  }
0x1c8: {  	v61 =	vmovc v57;
	v57 =	vmovc v59;
	v1 =	vmul.f32 $1.442695020e+00, v1;
	v2 =	vsub.f32 $0.0e+00, v2;
	v10 =	vmul.f32 v10, v8  }
0x1c9: {  	v59 =	vmovc v62;
	v11 =	vadd.f32 $1.000000000e+00, v0;
	v14 =	vmul.f32 $1.111111120e-01, v21;
	v9 =	vadd.f32 v7, v5  }
0x1ca: {  	v0 =	vmul.f32 $1.442695020e+00, v2;
	(erf) = vpow2.f32 v1;
	v12 =	vpop (erf);
	v34 =	vadd.f32 $3.333333430e-01, v10  }
0x1cb: {  	s17 =	sadd.s32 $0x10, s17;
	s20 =	sadd.s32 $0x1, s20;
	(erf) = vrcp.f32 v11;
	v62 =	vpop (erf);
	v1 =	vadd.f32 $2.000000000e+00, v12;
	v37 =	vadd.f32 $1.428571490e-01, v14  }
0x1cc: {  	_ = 	snop  }
0x1cd: {  	(erf) = vrcp.f32 v1  }
0x1ce: {  	(erf) = vpow2.f32 v0;
	_ =	sdelay $0x2  }
0x1cf: {  	v52 =	vpop (erf)  }
0x1d0: {  	v38 =	vsub.f32 $0.0e+00, v62;
	v35 =	vpop (erf)  }
0x1d1: {  	v24 =	vpop (erf)  }
0x1d2: {  	v1 =	vmul.f32 $1.442695020e+00, v38;
	v14 =	vpop (erf)  }
0x1d3: {  	v0 =	vadd.f32 $1.000000000e+00, v35;
	v5 =	vsub.f32 $0.0e+00, v14  }
0x1d4: {  	(erf) = vpow2.f32 v1;
	v45 =	vadd.f32 $2.000000000e+00, v24;
	v30 =	vpop (erf)  }
0x1d5: {  	(erf) = vrcp.f32 v0;
	v46 =	vpop (erf);
	v5 =	vmul.f32 $1.442695020e+00, v5  }
0x1d6: {  	(erf) = vrcp.f32 v45;
	v0 =	vadd.f32 $1.000000000e+00, v46  }
0x1d7: {  	(erf) = vpow2.f32 v5  }
0x1d8: {  	(erf) = vrcp.f32 v0;
	_ =	sdelay $0x4  }
0x1d9: {  	v20 =	vpop (erf)  }
0x1da: {  	v22 =	vpop (erf)  }
0x1db: {  	v15 =	vpop (erf)  }
0x1dc: {  	v51 =	vsub.f32 $0.0e+00, v22;
	v10 =	vpop (erf)  }
0x1dd: {  	v58 =	vadd.f32 $2.000000000e+00, v20;
	v0 =	vpop (erf)  }
0x1de: {  	v1 =	vmul.f32 $1.442695020e+00, v51;
	v7 =	vsub.f32 $0.0e+00, v0  }
0x1df: {  	(erf) = vrcp.f32 v58;
	v11 =	vadd.f32 $2.000000000e+00, v10  }
0x1e0: {  	(erf) = vpow2.f32 v1;
	v29 =	vmul.f32 $1.442695020e+00, v7  }
0x1e1: {  	(erf) = vrcp.f32 v11  }
0x1e2: {  	(erf) = vpow2.f32 v29;
	_ =	sdelay $0x5  }
0x1e3: {  	v58 =	vpop (erf)  }
0x1e4: {  	v7 =	vpop (erf)  }
0x1e5: {  	v35 =	vpop (erf)  }
0x1e6: {  	v38 =	vsub.f32 $0.0e+00, v50;
	v45 =	vadd.f32 $2.000000000e+00, v7;
	v50 =	vpop (erf)  }
0x1e7: {  	v11 =	vadd.f32 $2.000000000e+00, v50  }
0x1e8: {  	v1 =	vmul.f32 $1.442695020e+00, v38;
	(erf) = vrcp.f32 v45  }
0x1e9: {  	(erf) = vrcp.f32 v11  }
0x1ea: {  	(erf) = vpow2.f32 v1;
	_ =	sdelay $0x6  }
0x1eb: {  	v11 =	vpop (erf)  }
0x1ec: {  	v46 =	vpop (erf)  }
0x1ed: {  	v48 =	vsub.f32 $0.0e+00, v48;
	v17 =	vpop (erf)  }
0x1ee: {  	v17 =	vadd.f32 $1.000000000e+00, v17  }
0x1ef: {  	v1 =	vmul.f32 $1.442695020e+00, v48  }
0x1f0: {  	(erf) = vrcp.f32 v17  }
0x1f1: {  	(erf) = vpow2.f32 v1;
	_ =	sdelay $0x7  }
0x1f2: {  	v1 =	vpop (erf)  }
0x1f3: {  	v17 =	vpop (erf)  }
0x1f4: {  	v17 =	vadd.f32 $1.000000000e+00, v17  }
0x1f5: {  	v29 =	vmul.f32 $1.442695020e+00, v47  }
0x1f6: {  	(erf) = vrcp.f32 v17  }
0x1f7: {  	(erf) = vpow2.f32 v29  }
0x1f8: {  	v17 =	vmul.f32 $1.442695020e+00, v49;
	_ =	sdelay $0x1  }
0x1f9: {  	(erf) = vpow2.f32 v17;
	_ =	sdelay $0x3  }
0x1fa: {  	v49 =	vimm.f32 $1.250000000e+00  }
0x1fb: {  	v17 =	vsel vm4, $0x40000000, v49;
	v51 =	vpop (erf)  }
0x1fc: {  	v43 =	vcvt.s32.f32 v43;
	v5 =	vimm.f32 $1.625000000e+00;
	[tilespmem:$0x1FDF0] =	vst v35;
	v17 =	vsel vm5, $0x40840000, v17;
	v35 =	vpop (erf)  }
0x1fd: {  	v45 =	vsel vm4, $0x40700000, v5;
	[tilespmem:$0x1FE00] =	vst v46;
	v46 =	vmul.f32 v35, v17;
	v17 =	vcvt.s32.f32 v44  }
0x1fe: {  	v5 =	vmul.f32 $5.000000000e-01, v33;
	v38 =	vsel vm5, $0x40380000, v45  }
0x1ff: {  	v29 =	vadd.f32 v43, v51;
	v48 =	vpop (erf);
	v1 =	vadd.f32 v17, v1;
	v49 =	vmul.f32 $5.000000000e-01, v46  }
0x200: {  	v35 =	vsub.f32 v39, v43;
	v45 =	vmul.f32 v48, v38;
	v17 =	vsub.f32 v40, v17  }
0x201: {  	v38 =	vmul.f32 $5.000000000e-01, v36;
	v43 =	vsub.f32 v1, v49;
	v39 =	vadd.f32 v49, v1  }
0x202: {  	v51 =	vmul.f32 $5.000000000e-01, v45;
	v47 =	vsub.f32 v17, v5;
	v48 =	vadd.f32 v17, v5  }
0x203: {  	v49 =	vsub.f32 v35, v38;
	v17 =	vadd.f32 v35, v38  }
0x204: {  	v1 =	vadd.f32 $1.000000010e-07, v45;
	v44 =	vsub.f32 v29, v51  }
0x205: {  	[tilespmem:$0x1FE10] =	vst v0;
	v40 =	vadd.f32 v51, v29;
	v51 =	vadd.f32 $1.000000010e-07, v36;
	v0 =	vmin.f32 v39, v48  }
0x206: {  	v2 =	vmax.f32 v43, v47;
	v1 =	vmul.f32 v1, v46;
	v46 =	vmax.f32 v39, v48  }
0x207: {  	v5 =	vmin.f32 v40, v17;
	v38 =	vmax.f32 v44, v49;
	v35 =	vsub.f32 v0, v2  }
0x208: {  	v29 =	vmul.f32 v51, v33;
	v51 =	vmin.f32 v43, v47;
	v36 =	vsub.f32 v5, v38  }
0x209: {  	v0 =	vmax.f32 v40, v17;
	v2 =	vmin.f32 v44, v49;
	v38 =	vsub.f32 v46, v51  }
0x20a: {  	v45 =	vsub.f32 v0, v2;
	v5 =	vmax.f32 v35, $0.0e+00;
	v46 =	vmax.f32 v36, $0.0e+00  }
0x20b: {  	v1 =	vadd.f32 v1, v29;
	v33 =	vmul.f32 v46, v5  }
0x20c: {  	v51 =	vmul.f32 v38, v38;
	v5 =	vmul.f32 v45, v45  }
0x20d: {  	v1 =	vsub.f32 v1, v33  }
0x20e: {  	v29 =	vadd.f32 v5, v51  }
0x20f: {  	v36 =	vsub.f32 $0.0e+00, v27;
	v1 =	vadd.f32 $1.000000010e-07, v1  }
0x210: {  	v29 =	vadd.f32 $1.000000010e-07, v29  }
0x211: {  	v38 =	vmul.f32 $1.442695020e+00, v36;
	(erf) = vrcp.f32 v1  }
0x212: {  	(erf) = vrcp.f32 v29  }
0x213: {  	(erf) = vpow2.f32 v38;
	_ =	sdelay $0x6  }
0x214: {  	v46 =	vpop (erf)  }
0x215: {  	v36 =	vpop (erf)  }
0x216: {  	v1 =	vpop (erf)  }
0x217: {  	v1 =	vadd.f32 $1.000000000e+00, v1;
	_ =	sdelay $0x1  }
0x218: {  	(erf) = vrcp.f32 v1;
	_ =	sdelay $0x8  }
0x219: {  	v1 =	vpop (erf)  }
0x21a: {  	v1 =	vsub.f32 $0.0e+00, v1;
	_ =	sdelay $0x1  }
0x21b: {  	v1 =	vmul.f32 $1.442695020e+00, v1;
	_ =	sdelay $0x1  }
0x21c: {  	(erf) = vpow2.f32 v1;
	_ =	sdelay $0x8  }
0x21d: {  	v45 =	vsub.f32 $0.0e+00, v56;
	v56 =	vpop (erf)  }
0x21e: {  	v51 =	vadd.f32 $2.000000000e+00, v56  }
0x21f: {  	v1 =	vmul.f32 $1.442695020e+00, v45  }
0x220: {  	(erf) = vrcp.f32 v51  }
0x221: {  	(erf) = vpow2.f32 v1;
	_ =	sdelay $0x7  }
0x222: {  	v45 =	vpop (erf)  }
0x223: {  	v54 =	vsub.f32 $0.0e+00, v54;
	v5 =	vpop (erf)  }
0x224: {  	v29 =	vadd.f32 $1.000000000e+00, v5  }
0x225: {  	v1 =	vmul.f32 $1.442695020e+00, v54  }
0x226: {  	(erf) = vrcp.f32 v29  }
0x227: {  	(erf) = vpow2.f32 v1;
	_ =	sdelay $0x7  }
0x228: {  	v1 =	vpop (erf)  }
0x229: {  	v35 =	vpop (erf)  }
0x22a: {  	v29 =	vadd.f32 $1.000000000e+00, v35  }
0x22b: {  	v38 =	vmul.f32 $1.442695020e+00, v53  }
0x22c: {  	v51 =	vmul.f32 $1.442695020e+00, v55;
	(erf) = vrcp.f32 v29  }
0x22d: {  	(erf) = vpow2.f32 v38  }
0x22e: {  	(erf) = vpow2.f32 v51;
	_ =	sdelay $0x4  }
0x22f: {  	v53 =	vimm.f32 $1.875000000e+00;
	v55 =	vimm.f32 $3.812500000e+00  }
0x230: {  	v54 =	vsel vm2, $0x40780000, v53;
	v2 =	vsel vm2, $0x40340000, v55;
	v55 =	vld [tilespmem:$0x1FED0]  }
0x231: {  	v35 =	vpop (erf)  }
0x232: {  	v29 =	vsel vm3, $0x406C0000, v54;
	v5 =	vpop (erf)  }
0x233: {  	v53 =	vcvt.s32.f32 v42;
	v38 =	vsel vm3, $0x40EE0000, v2;
	v51 =	vmul.f32 v5, v29;
	v54 =	vpop (erf)  }
0x234: {  	v27 =	vmul.f32 v54, v38;
	v38 =	vcvt.s32.f32 v41  }
0x235: {  	v1 =	vadd.f32 v53, v1;
	v29 =	vsub.f32 v55, v53;
	v2 =	vmul.f32 $5.000000000e-01, v51  }
0x236: {  	v5 =	vadd.f32 v38, v35;
	v54 =	vsub.f32 v31, v38;
	v55 =	vmul.f32 $5.000000000e-01, v27  }
0x237: {  	v41 =	vsub.f32 v1, v2;
	v35 =	vadd.f32 v2, v1;
	v1 =	vmul.f32 $5.000000000e-01, v28  }
0x238: {  	v42 =	vsub.f32 v5, v55;
	v38 =	vadd.f32 v55, v5  }
0x239: {  	v5 =	vmul.f32 $5.000000000e-01, v32;
	v55 =	vsub.f32 v29, v1;
	v29 =	vadd.f32 v29, v1  }
0x23a: {  	v1 =	vadd.f32 $1.000000010e-07, v27;
	v27 =	vadd.f32 $1.000000010e-07, v32  }
0x23b: {  	v53 =	vsub.f32 v54, v5;
	v54 =	vadd.f32 v54, v5  }
0x23c: {  	v0 =	vmovc v28;
	v28 =	vmin.f32 v35, v29;
	v2 =	vmax.f32 v41, v55;
	v1 =	vmul.f32 v1, v51  }
0x23d: {  	v27 =	vmul.f32 v27, v0;
	v51 =	vmax.f32 v35, v29;
	v0 =	vmin.f32 v41, v55  }
0x23e: {  	v5 =	vmin.f32 v38, v54;
	v16 =	vmax.f32 v42, v53;
	v28 =	vsub.f32 v28, v2  }
0x23f: {  	v2 =	vmax.f32 v38, v54;
	v16 =	vsub.f32 v5, v16;
	v5 =	vmin.f32 v42, v53  }
0x240: {  	v32 =	vsub.f32 v51, v0;
	v51 =	vsub.f32 v2, v5  }
0x241: {  	v1 =	vadd.f32 v1, v27  }
0x242: {  	v28 =	vmax.f32 v28, $0.0e+00;
	v16 =	vmax.f32 v16, $0.0e+00;
	v27 =	vmul.f32 v51, v51;
	v51 =	vld [tilespmem:$0x1FE60]  }
0x243: {  	v31 =	vmul.f32 v16, v28  }
0x244: {  	v16 =	vmul.f32 v32, v32  }
0x245: {  	v1 =	vsub.f32 v1, v31  }
0x246: {  	v16 =	vadd.f32 v27, v16  }
0x247: {  	v1 =	vadd.f32 $1.000000010e-07, v1;
	v27 =	vsub.f32 $0.0e+00, v51  }
0x248: {  	v16 =	vadd.f32 $1.000000010e-07, v16  }
0x249: {  	(erf) = vrcp.f32 v1;
	v5 =	vmul.f32 $1.442695020e+00, v27  }
0x24a: {  	(erf) = vrcp.f32 v16  }
0x24b: {  	(erf) = vpow2.f32 v5;
	_ =	sdelay $0x6  }
0x24c: {  	v32 =	vpop (erf)  }
0x24d: {  	v51 =	vpop (erf)  }
0x24e: {  	v1 =	vpop (erf)  }
0x24f: {  	v1 =	vadd.f32 $1.000000000e+00, v1;
	_ =	sdelay $0x1  }
0x250: {  	(erf) = vrcp.f32 v1;
	_ =	sdelay $0x8  }
0x251: {  	v1 =	vpop (erf)  }
0x252: {  	v1 =	vsub.f32 $0.0e+00, v1;
	_ =	sdelay $0x1  }
0x253: {  	v1 =	vmul.f32 $1.442695020e+00, v1;
	_ =	sdelay $0x1  }
0x254: {  	(erf) = vpow2.f32 v1;
	_ =	sdelay $0x8  }
0x255: {  	v28 =	vsub.f32 $0.0e+00, v23;
	v23 =	vpop (erf)  }
0x256: {  	v16 =	vadd.f32 $2.000000000e+00, v23  }
0x257: {  	v1 =	vmul.f32 $1.442695020e+00, v28  }
0x258: {  	(erf) = vrcp.f32 v16  }
0x259: {  	(erf) = vpow2.f32 v1;
	_ =	sdelay $0x7  }
0x25a: {  	v5 =	vpop (erf)  }
0x25b: {  	v16 =	vsub.f32 $0.0e+00, v18;
	v1 =	vpop (erf)  }
0x25c: {  	v18 =	vadd.f32 $1.000000000e+00, v1  }
0x25d: {  	v16 =	vmul.f32 $1.442695020e+00, v16  }
0x25e: {  	(erf) = vrcp.f32 v18  }
0x25f: {  	(erf) = vpow2.f32 v16;
	_ =	sdelay $0x5  }
0x260: {  	v27 =	vmul.f32 v37, v21;
	v37 =	vld [tilespmem:$0x1FE30];
	_ =	sdelay $0x1  }
0x261: {  	v16 =	vpop (erf)  }
0x262: {  	v2 =	vpop (erf)  }
0x263: {  	v18 =	vadd.f32 $1.000000000e+00, v2;
	v2 =	vadd.f32 $2.000000030e-01, v27  }
0x264: {  	v8 =	vmul.f32 v34, v8;
	v1 =	vmul.f32 $1.442695020e+00, v37  }
0x265: {  	(erf) = vrcp.f32 v18;
	v18 =	vmul.f32 v2, v21  }
0x266: {  	v19 =	vmul.f32 $1.442695020e+00, v19;
	v13 =	vmul.f32 v60, v13;
	v3 =	vadd.f32 v3, v3  }
0x267: {  	v8 =	vadd.f32 $1.000000000e+00, v8;
	(erf) = vpow2.f32 v1;
	v18 =	vadd.f32 $3.333333430e-01, v18  }
0x268: {  	vm8 =	veq.s32 v26, s16;
	(erf) = vpow2.f32 v19  }
0x269: {  	v9 =	vadd.f32 v13, v9;
	v3 =	vmul.f32 v8, v3;
	v19 =	vmul.f32 v18, v21  }
0x26a: {  	v6 =	vadd.f32 v6, v6;
	v60 =	vld [tilespmem:$0x1FEC0];
	v13 =	vsel vm8, $0x0, v25  }
0x26b: {  	v3 =	vadd.f32 v3, v9;
	v37 =	vimm.f32 $2.812500000e+00;
	v8 =	vadd.f32 $1.000000000e+00, v19  }
0x26c: {  	v28 =	vimm.f32 $3.625000000e+00;
	v19 =	vmul.f32 v52, v4;
	v52 =	vsel vm0, $0x40C60000, v37;
	v37 =	vld [tilespmem:$0x1FEB0]  }
0x26d: {  	v21 =	vmul.f32 v63, v13;
	v6 =	vmul.f32 v8, v6;
	v8 =	vsel vm1, $0x41230000, v52;
	v52 =	vld [tilespmem:$0x1FEA0]  }
0x26e: {  	v34 =	vsel vm0, $0x409C0000, v28  }
0x26f: {  	v63 =	vcvt.s32.f32 v60;
	v3 =	vadd.f32 v21, v3;
	v9 =	vpop (erf)  }
0x270: {  	v1 =	vld [tilespmem:$0x1FE90];
	v4 =	vsel vm1, $0x413A8000, v34;
	v13 =	vpop (erf)  }
0x271: {  	v0 =	vld [tilespmem:$0x1FE80];
	v28 =	vadd.f32 v6, v3;
	v3 =	vadd.f32 v63, v16;
	v21 =	vmul.f32 v13, v4;
	v34 =	vpop (erf)  }
0x272: {  	v13 =	vcvt.s32.f32 v37;
	v27 =	vmul.f32 v34, v8;
	v16 =	vsub.f32 v52, v63;
	v63 =	vld [tilespmem:$0x1FE70]  }
0x273: {  	v4 =	vmul.f32 $5.000000000e-01, v21  }
0x274: {  	v9 =	vadd.f32 v13, v9;
	v60 =	vmul.f32 $5.000000000e-01, v27  }
0x275: {  	vm9 =	veq.s32 v26, s15;
	v2 =	vmul.f32 $5.000000000e-01, v1;
	v6 =	vsub.f32 v3, v4  }
0x276: {  	v37 =	vmul.f32 $5.000000000e-01, v0;
	v3 =	vadd.f32 v4, v3;
	v8 =	vsub.f32 v9, v60  }
0x277: {  	v4 =	vadd.f32 v60, v9;
	v60 =	vmul.f32 v19, v19;
	v34 =	vsub.f32 v63, v13  }
0x278: {  	v30 =	vmul.f32 v30, v12;
	v27 =	vadd.f32 $1.000000010e-07, v27;
	v12 =	vadd.f32 v16, v37  }
0x279: {  	v13 =	vsub.f32 v16, v37;
	v9 =	vmul.f32 $1.111111120e-01, v60;
	v16 =	vsub.f32 v34, v2  }
0x27a: {  	v21 =	vmul.f32 v27, v21;
	v18 =	vadd.f32 v34, v2;
	v2 =	vadd.f32 $1.000000010e-07, v1  }
0x27b: {  	v37 =	vmin.f32 v3, v12;
	v63 =	vmax.f32 v6, v13;
	v9 =	vadd.f32 $1.428571490e-01, v9  }
0x27c: {  	v37 =	vsub.f32 v37, v63;
	v63 =	vmax.f32 v3, v12;
	v27 =	vmul.f32 v2, v0  }
0x27d: {  	v0 =	vsel vm9, $0x0, v25;
	v1 =	vmin.f32 v4, v18;
	v2 =	vmax.f32 v8, v16  }
0x27e: {  	v9 =	vmul.f32 v9, v60;
	v34 =	vmul.f32 v61, v0;
	v52 =	vsub.f32 v1, v2  }
0x27f: {  	v61 =	vmul.f32 v30, v30;
	v2 =	vmin.f32 v6, v13;
	v1 =	vmax.f32 v4, v18  }
0x280: {  	v0 =	vmin.f32 v8, v16;
	v21 =	vadd.f32 v21, v27;
	v27 =	vadd.f32 $2.000000030e-01, v9  }
0x281: {  	v9 =	vmax.f32 v37, $0.0e+00;
	v37 =	vmax.f32 v52, $0.0e+00;
	v52 =	vmul.f32 $1.111111120e-01, v61  }
0x282: {  	v2 =	vsub.f32 v63, v2;
	v0 =	vsub.f32 v1, v0;
	v1 =	vmul.f32 v15, v24  }
0x283: {  	v9 =	vmul.f32 v37, v9;
	v15 =	vmul.f32 v27, v60;
	v24 =	vadd.f32 $1.428571490e-01, v52;
	v52 =	vld [tilespmem:$0x1FE40]  }
0x284: {  	v2 =	vmul.f32 v2, v2;
	v0 =	vmul.f32 v0, v0  }
0x285: {  	v21 =	vsub.f32 v21, v9;
	v15 =	vadd.f32 $3.333333430e-01, v15  }
0x286: {  	v0 =	vadd.f32 v0, v2;
	v2 =	vmul.f32 v1, v1;
	v24 =	vmul.f32 v24, v61  }
0x287: {  	v27 =	vadd.f32 v34, v28;
	v21 =	vadd.f32 $1.000000010e-07, v21;
	v15 =	vmul.f32 v15, v60  }
0x288: {  	v60 =	vmul.f32 $1.111111120e-01, v2;
	v24 =	vadd.f32 $2.000000030e-01, v24;
	v28 =	vsub.f32 $0.0e+00, v52  }
0x289: {  	v0 =	vadd.f32 $1.000000010e-07, v0;
	(erf) = vrcp.f32 v21;
	v63 =	vadd.f32 $1.000000000e+00, v15  }
0x28a: {  	v15 =	vadd.f32 $1.428571490e-01, v60;
	v24 =	vmul.f32 v24, v61;
	v28 =	vmul.f32 $1.442695020e+00, v28  }
0x28b: {  	v19 =	vadd.f32 v19, v19;
	(erf) = vrcp.f32 v0  }
0x28c: {  	v15 =	vmul.f32 v15, v2;
	(erf) = vpow2.f32 v28;
	v28 =	vadd.f32 $3.333333430e-01, v24  }
0x28d: {  	v0 =	vmul.f32 v63, v19  }
0x28e: {  	v15 =	vadd.f32 $2.000000030e-01, v15;
	v21 =	vmul.f32 v28, v61  }
0x28f: {  	v0 =	vadd.f32 v0, v27  }
0x290: {  	v27 =	vadd.f32 v30, v30;
	v15 =	vmul.f32 v15, v2;
	v21 =	vadd.f32 $1.000000000e+00, v21  }
0x291: {  	vm10 =	veq.s32 v26, s14;
	v20 =	vmul.f32 v58, v20  }
0x292: {  	v34 =	vsel vm10, $0x0, v25;
	v52 =	vmul.f32 v21, v27;
	v27 =	vadd.f32 $3.333333430e-01, v15  }
0x293: {  	v19 =	vmul.f32 v57, v34  }
0x294: {  	v24 =	vmul.f32 v20, v20;
	v2 =	vmul.f32 v27, v2;
	v27 =	vld [tilespmem:$0x1FDF0];
	_ =	sdelay $0x1  }
0x295: {  	v37 =	vmul.f32 $1.111111120e-01, v24  }
0x296: {  	v15 =	vpop (erf)  }
0x297: {  	v0 =	vadd.f32 v19, v0;
	v57 =	vadd.f32 $1.428571490e-01, v37;
	v19 =	vpop (erf)  }
0x298: {  	v10 =	vmul.f32 v27, v10;
	v27 =	vpop (erf)  }
0x299: {  	v21 =	vmul.f32 v57, v24;
	v27 =	vadd.f32 $1.000000000e+00, v27  }
0x29a: {  	vm11 =	veq.s32 v26, s2  }
0x29b: {  	vm12 =	veq.s32 v26, s0;
	v21 =	vadd.f32 $2.000000030e-01, v21;
	(erf) = vrcp.f32 v27  }
0x29c: {  	vm13 =	veq.s32 v26, s31;
	vm14 =	veq.s32 v26, s30;
	v58 =	vsel vm11, $0x0, v25  }
0x29d: {  	v17 =	vadd.f32 v17, v49;
	v1 =	vadd.f32 v1, v1;
	v21 =	vmul.f32 v21, v24  }
0x29e: {  	v28 =	vmul.f32 v59, v58;
	v0 =	vadd.f32 v52, v0;
	v2 =	vadd.f32 $1.000000000e+00, v2  }
0x29f: {  	v17 =	vsub.f32 v17, v44;
	v59 =	vadd.f32 $3.333333430e-01, v21;
	v30 =	vmul.f32 v10, v10  }
0x2a0: {  	v63 =	vsel vm12, $0x0, v25;
	v0 =	vadd.f32 v28, v0;
	v1 =	vmul.f32 v2, v1  }
0x2a1: {  	v20 =	vadd.f32 v20, v20;
	v61 =	vmul.f32 v59, v24;
	v27 =	vmul.f32 $1.111111120e-01, v30  }
0x2a2: {  	v2 =	vmul.f32 v11, v7;
	v7 =	vmul.f32 v62, v63;
	v0 =	vadd.f32 v1, v0  }
0x2a3: {  	vm15 =	veq.s32 v26, s29;
	v1 =	vadd.f32 $1.000000000e+00, v61;
	v60 =	vadd.f32 $1.428571490e-01, v27  }
0x2a4: {  	v12 =	vadd.f32 v12, v13;
	v21 =	vmul.f32 v2, v2;
	v0 =	vadd.f32 v7, v0;
	v52 =	vpop (erf)  }
0x2a5: {  	v1 =	vmul.f32 v1, v20;
	v28 =	vmul.f32 v60, v30;
	v57 =	vsub.f32 $0.0e+00, v52  }
0x2a6: {  	v26 =	vmul.f32 v46, v33;
	v6 =	vsub.f32 v12, v6;
	v37 =	vmul.f32 $1.111111120e-01, v21  }
0x2a7: {  	v0 =	vadd.f32 v1, v0;
	v60 =	vld [tilespmem:$0x1FE00];
	v11 =	vadd.f32 $2.000000030e-01, v28;
	v1 =	vmul.f32 $1.442695020e+00, v57  }
0x2a8: {  	v3 =	vsub.f32 v6, v3;
	v58 =	vsel vm13, $0x0, v25;
	v59 =	vadd.f32 v48, v47  }
0x2a9: {  	v34 =	vmul.f32 v11, v30;
	v11 =	vadd.f32 $1.428571490e-01, v37;
	(erf) = vpow2.f32 v1  }
0x2aa: {  	v5 =	vmul.f32 v5, v23;
	v13 =	vadd.f32 v18, v16;
	v14 =	vmul.f32 v14, v58  }
0x2ab: {  	v3 =	vmul.f32 v3, v3;
	v20 =	vsub.f32 v59, v43;
	v11 =	vmul.f32 v11, v21  }
0x2ac: {  	v0 =	vadd.f32 v14, v0;
	v14 =	vsub.f32 v17, v40;
	v1 =	vmul.f32 v60, v50  }
0x2ad: {  	v63 =	vmul.f32 v45, v56;
	v7 =	vadd.f32 $3.333333430e-01, v34;
	v11 =	vadd.f32 $2.000000030e-01, v11  }
0x2ae: {  	v62 =	vsub.f32 v20, v39;
	v14 =	vmul.f32 v14, v14;
	v27 =	vmul.f32 v1, v1  }
0x2af: {  	v7 =	vmul.f32 v7, v30;
	v61 =	vmul.f32 v11, v21  }
0x2b0: {  	v8 =	vsub.f32 v13, v8;
	v11 =	vmul.f32 v62, v62;
	v17 =	vmul.f32 $1.111111120e-01, v27  }
0x2b1: {  	v24 =	vsel vm14, $0x0, v25;
	v10 =	vadd.f32 v10, v10;
	v7 =	vadd.f32 $1.000000000e+00, v7  }
0x2b2: {  	v22 =	vmul.f32 v22, v24;
	v11 =	vadd.f32 v14, v11;
	v17 =	vadd.f32 $1.428571490e-01, v17;
	v37 =	vpop (erf)  }
0x2b3: {  	v34 =	vmul.f32 v63, v63;
	v7 =	vmul.f32 v7, v10;
	v24 =	vadd.f32 $2.000000000e+00, v37  }
0x2b4: {  	v11 =	vmul.f32 $2.500000000e-01, v11;
	v14 =	vmul.f32 v17, v27  }
0x2b5: {  	v4 =	vsub.f32 v8, v4;
	v17 =	vmul.f32 $1.111111120e-01, v34;
	(erf) = vrcp.f32 v24  }
0x2b6: {  	v39 =	vadd.f32 v29, v55;
	v40 =	vadd.f32 v54, v53;
	v11 =	vmul.f32 v36, v11  }
0x2b7: {  	v4 =	vmul.f32 v4, v4;
	v0 =	vadd.f32 v7, v0;
	v17 =	vadd.f32 $1.428571490e-01, v17  }
0x2b8: {  	v13 =	vmul.f32 v32, v31;
	v11 =	vsub.f32 v11, v26;
	v26 =	vsub.f32 v39, v41  }
0x2b9: {  	v3 =	vadd.f32 v4, v3;
	v0 =	vadd.f32 v22, v0;
	v17 =	vmul.f32 v17, v34  }
0x2ba: {  	v22 =	vsub.f32 v40, v42;
	v42 =	vsub.f32 v26, v35;
	v26 =	vmul.f32 v5, v5  }
0x2bb: {  	v3 =	vmul.f32 $2.500000000e-01, v3;
	v9 =	vmul.f32 v15, v9;
	v17 =	vadd.f32 $2.000000030e-01, v17  }
0x2bc: {  	v10 =	vadd.f32 $3.333333430e-01, v61;
	v22 =	vsub.f32 v22, v38;
	v43 =	vmul.f32 $1.111111120e-01, v26  }
0x2bd: {  	v2 =	vadd.f32 v2, v2;
	v1 =	vadd.f32 v1, v1;
	v17 =	vmul.f32 v17, v34  }
0x2be: {  	v10 =	vmul.f32 v10, v21;
	v22 =	vmul.f32 v22, v22;
	v46 =	vadd.f32 $1.428571490e-01, v43;
	v47 =	vpop (erf)  }
0x2bf: {  	v52 =	vld [tilespmem:$0x1FE50];
	v23 =	vmul.f32 v42, v42;
	v17 =	vadd.f32 $3.333333430e-01, v17;
	v16 =	vmul.f32 v47, v37  }
0x2c0: {  	v10 =	vadd.f32 $1.000000000e+00, v10;
	v11 =	vadd.f32 $1.000000000e+00, v11;
	v48 =	vmul.f32 v46, v26  }
0x2c1: {  	v45 =	vmul.f32 v17, v34;
	v17 =	vadd.f32 v22, v23;
	v12 =	vmul.f32 v16, v16  }
0x2c2: {  	v7 =	vadd.f32 v63, v63;
	v2 =	vmul.f32 v10, v2;
	v11 =	vmul.f32 $5.000000000e+00, v11  }
0x2c3: {  	v18 =	vadd.f32 $2.000000030e-01, v48;
	v17 =	vmul.f32 $2.500000000e-01, v17;
	v49 =	vmul.f32 $1.111111120e-01, v12  }
0x2c4: {  	v10 =	vmul.f32 $1.250000020e-02, v52;
	v44 =	vadd.f32 $0.0e+00, v11;
	v11 =	vadd.f32 $1.000000000e+00, v45  }
0x2c5: {  	v17 =	vmul.f32 v51, v17;
	v51 =	vmul.f32 v18, v26;
	v6 =	vadd.f32 $1.428571490e-01, v49  }
0x2c6: {  	v14 =	vadd.f32 $2.000000030e-01, v14;
	v5 =	vadd.f32 v5, v5;
	v7 =	vmul.f32 v11, v7  }
0x2c7: {  	v50 =	vsub.f32 v17, v13;
	v11 =	vadd.f32 $3.333333430e-01, v51;
	v53 =	vmul.f32 v6, v12  }
0x2c8: {  	v0 =	vadd.f32 v2, v0;
	v14 =	vmul.f32 v14, v27;
	v7 =	vadd.f32 v7, v44  }
0x2c9: {  	v59 =	vld [tilespmem:$0x1FE10];
	v8 =	vadd.f32 $1.000000000e+00, v50;
	v55 =	vmul.f32 v11, v26;
	v4 =	vadd.f32 $2.000000030e-01, v53  }
0x2ca: {  	v56 =	vmul.f32 v19, v3;
	v60 =	vld [tilespmem:$0x1FE20];
	v14 =	vadd.f32 $3.333333430e-01, v14;
	v7 =	vadd.f32 v10, v7  }
0x2cb: {  	v8 =	vmul.f32 $5.000000000e+00, v8;
	v10 =	vadd.f32 $1.000000000e+00, v55;
	v57 =	vmul.f32 v4, v12  }
0x2cc: {  	v2 =	vsub.f32 v56, v9;
	v24 =	vsel vm15, $0x0, v25;
	v54 =	vmul.f32 v14, v27  }
0x2cd: {  	v58 =	vadd.f32 v8, v7;
	v5 =	vmul.f32 v10, v5;
	v3 =	vadd.f32 $3.333333430e-01, v57  }
0x2ce: {  	v2 =	vadd.f32 $1.000000000e+00, v2;
	v6 =	vadd.f32 $1.000000000e+00, v54;
	v7 =	vmul.f32 v59, v24  }
0x2cf: {  	v4 =	vadd.f32 v5, v58;
	v5 =	vmul.f32 $1.250000020e-02, v60;
	v3 =	vmul.f32 v3, v12  }
0x2d0: {  	v2 =	vmul.f32 $5.000000000e+00, v2;
	v61 =	vadd.f32 v16, v16;
	v0 =	vadd.f32 v7, v0  }
0x2d1: {  	v1 =	vmul.f32 v6, v1;
	v4 =	vadd.f32 v5, v4;
	v3 =	vadd.f32 $1.000000000e+00, v3;
	_ =	sdelay $0x1  }
0x2d2: {  	v0 =	vadd.f32 v1, v0;
	v62 =	vadd.f32 v2, v4;
	v63 =	vmul.f32 v3, v61;
	_ =	sdelay $0x1  }
0x2d3: {  	v0 =	vmul.f32 $1.250000020e-02, v0;
	v1 =	vadd.f32 v63, v62;
	_ =	sdelay $0x1  }
0x2d4: {  	s28 =	sadd.s32 $0x1, s28;
	v0 =	vadd.f32 v0, v1  }
0x2d5: {  	p0 =	sne.s32 s28, s12  }
.Ltmp6:
0x2d6: {  	[tilespmem:$0x2280] =	vst v0;
	(pc) =	sbr.rel @p0 .LBB2_1-.Ltmp6, $4  }
0x2d7: {  	[hbm4b:s11+s1] =	stream.linear.scatter [tilespmem:s26], [sflag:$0x2], $0x80, $0x38;
	[tilespmem:$0x2300] =	vst v63  }
0x2d8: {  	_ =	swait.ge [sflag:s13], $0x80  }
0x2d9: {  	[sflag:s13] =	ssyncset.done $0x0;
	v13 =	vld [tilespmem:$0x1FFE0]  }
0x2da: {  	v15 =	vimm.s32 $0x0;
	v14 =	vld [tilespmem:$0x1FFF0];
	[sflag:s13] =	ssyncadd.s32 $0xFFFFFF80  }
0x2db: {  	_ =	sfence.sel $0x180000  }
0x2dc: {  	[bflag:$0x0] =	sbarrier.arrive $0xFFFF  }
0x2dd: {  	_ =	strace $0x90000047  }
0x2de: {  	s0 =	stileid.u32;
	[bflag:$0x2] =	sbarrier.arrive $0xFFFF  }
0x2df: {  	p0 =	sne.s32 s0, $0x0;
	s0 =	rddreg [dreg:$0x1]  }
0x2e0: {  	s0 =	sadd.s32 @!p0 $0x100000, s0  }
0x2e1: {  	[sflag:s0] =	ssyncadd.tile.s32 @!p0 $0x1;
	_ =	shalt  }
.Lfunc_end2:
_tile_overlayer_lowered:
.L_overlay_start_2:
0x2e2: {  	(tag) =	ssettag $0x2  }
0x2e3: {  	s0 =	rddreg [dreg:$0x0];
	s2 =	stileid.u32  }
0x2e4: {  	s1 =	rddreg [dreg:$0x1];
	p0 =	sne.s32 s2, $0x0  }
0x2e5: {  	s3 =	rddreg [dreg:$0x2];
	[bflag:$0x3] =	sbarrier.arrive $0xFFFF;
	s2 =	simm.s32 @!p0 $0x1C02  }
0x2e6: {  	[timem:s3], [sflag:s2] =	dma.local @!p0 [hbm:s0], s1  }
0x2e7: {  	s0 =	simm.s32 @!p0 $0x2  }
0x2e8: {  	_ =	swait.ge @!p0 [sflag:s0], s1  }
0x2e9: {  	s1 =	ssub.s32 @!p0 $0x0, s1;
	[sflag:s0] =	ssyncset.done @!p0 $0x0  }
0x2ea: {  	[sflag:s0] =	ssyncadd.s32 @!p0 s1  }
0x2eb: {  	[bflag:$0x3] =	sbarrier.arrive $0xFFFF  }
0x2ec: {  	_ =	shalt  }

</sc_bundles>
